<compile_context>
chip_gen: v7x
topology: tpu7x:2x2x1
jax: 0.10.2.dev20260603
libtpu: 0.0.44.dev20260713+nightly
codegen_flags: <defaults>
</compile_context>

<pallas_src>
import dataclasses
import functools
import math

import jax
import jax.numpy as jnp
from jax import lax
from jax.experimental import pallas as pl
from jax.experimental.pallas import tpu as pltpu
from jax.experimental.pallas import tpu_sc as plsc

D = 128
L = 16
NC = 2
NS = 16
NW = NC * NS
CHUNK = 128
INV_SQRT_D = 1.0 / math.sqrt(float(D))


def _prep_body(x_ref, w_ref, nw_ref):
    nw_ref[...] = jnp.dot(
        x_ref[...], w_ref[...],
        preferred_element_type=jnp.float32,
        precision=lax.Precision.HIGHEST,
    ) * INV_SQRT_D


def _node_transform(emb, w):
    n = emb.shape[0]
    return pl.pallas_call(
        _prep_body,
        out_shape=jax.ShapeDtypeStruct((n, D), jnp.float32),
    )(emb, w)


def _sc_scores(node_w, emb, src, tgt, bias16):
    n_edges = src.shape[0]
    n_nodes = emb.shape[0]
    assert n_edges % NW == 0
    per_w = n_edges // NW
    n_full = per_w // CHUNK
    tail = per_w - n_full * CHUNK
    assert n_full % 2 == 0 and tail % L == 0
    del n_nodes

    mesh = plsc.VectorSubcoreMesh(core_axis_name="c", subcore_axis_name="s")
    cp = pltpu.CompilerParams()
    if "needs_layout_passes" in pltpu.CompilerParams.__dataclass_fields__:
        cp = dataclasses.replace(cp, needs_layout_passes=False)

    @functools.partial(
        pl.kernel,
        mesh=mesh,
        compiler_params=cp,
        out_type=jax.ShapeDtypeStruct((n_edges,), jnp.float32),
        scratch_types=[
            pltpu.VMEM((per_w,), jnp.int32),
            pltpu.VMEM((per_w,), jnp.int32),
            pltpu.VMEM((CHUNK, D), jnp.float32),
            pltpu.VMEM((CHUNK, D), jnp.float32),
            pltpu.VMEM((CHUNK, D), jnp.float32),
            pltpu.VMEM((CHUNK, D), jnp.float32),
            pltpu.VMEM((CHUNK, D), jnp.float32),
            pltpu.VMEM((CHUNK, D), jnp.float32),
            pltpu.VMEM((CHUNK + L,), jnp.float32),
            pltpu.VMEM((CHUNK + L,), jnp.float32),
            pltpu.VMEM((CHUNK + L,), jnp.float32),
            pltpu.VMEM((L,), jnp.float32),
            pltpu.SemaphoreType.DMA,
            pltpu.SemaphoreType.DMA,
            pltpu.SemaphoreType.DMA,
            pltpu.SemaphoreType.DMA,
            pltpu.SemaphoreType.DMA,
            pltpu.SemaphoreType.DMA,
        ],
    )
    def k(nw_hbm, emb_hbm, src_hbm, tgt_hbm, b_hbm, out_hbm,
          si_all, ti_all, av0, bv0, av1, bv1, av2, bv2, sv0, sv1, sv2, biasv,
          sa0, sb0, sa1, sb1, sa2, sb2):
        wid = lax.axis_index("s") * NC + lax.axis_index("c")
        base_w = wid * per_w
        pltpu.sync_copy(src_hbm.at[pl.ds(base_w, per_w)], si_all)
        pltpu.sync_copy(tgt_hbm.at[pl.ds(base_w, per_w)], ti_all)
        pltpu.sync_copy(b_hbm, biasv)
        bias_vec = biasv[pl.ds(0, L)] * INV_SQRT_D
        lane = lax.iota(jnp.int32, L)

        def fire(c, av_, bv_, sa, sb):
            off = c * CHUNK
            pltpu.async_copy(nw_hbm.at[si_all.at[pl.ds(off, CHUNK)]], av_, sa)
            pltpu.async_copy(emb_hbm.at[ti_all.at[pl.ds(off, CHUNK)]], bv_, sb)

        def drain(av_, bv_, sa, sb):
            pltpu.make_async_copy(
                nw_hbm.at[si_all.at[pl.ds(0, CHUNK)]], av_, sa).wait()
            pltpu.make_async_copy(
                emb_hbm.at[ti_all.at[pl.ds(0, CHUNK)]], bv_, sb).wait()

        mask15 = lane == (L - 1)
        bias_per_lane = bias_vec * (1.0 / L)

        def compute_chunk(av_, bv_, sv_, n):
            @plsc.parallel_loop(0, n, step=1, unroll=2)
            def _(e):
                acc0 = av_[e, pl.ds(0, L)] * bv_[e, pl.ds(0, L)]
                acc1 = av_[e, pl.ds(L, L)] * bv_[e, pl.ds(L, L)]
                for j in range(2, D // L, 2):
                    acc0 = acc0 + (av_[e, pl.ds(j * L, L)]
                                   * bv_[e, pl.ds(j * L, L)])
                    acc1 = acc1 + (av_[e, pl.ds((j + 1) * L, L)]
                                   * bv_[e, pl.ds((j + 1) * L, L)])
                scanned = plsc.cumsum(acc0 + acc1 + bias_per_lane)
                plsc.store_compressed(sv_.at[pl.ds(e, L)], scanned, mask=mask15)

        assert n_full % 3 == 0
        fire(0, av0, bv0, sa0, sb0)
        fire(1, av1, bv1, sa1, sb1)

        @pl.loop(0, n_full, step=3)
        def _(c):
            bufs = ((av0, bv0, sv0, sa0, sb0),
                    (av1, bv1, sv1, sa1, sb1),
                    (av2, bv2, sv2, sa2, sb2))
            for p in range(3):
                av_, bv_, sv_, sa, sb = bufs[p]
                nav, nbv, _, nsa, nsb = bufs[(p + 2) % 3]
                drain(av_, bv_, sa, sb)

                @pl.when(c + p + 2 < n_full)
                def _():
                    fire(c + p + 2, nav, nbv, nsa, nsb)

                compute_chunk(av_, bv_, sv_, CHUNK)
                pltpu.sync_copy(
                    sv_.at[pl.ds(0, CHUNK)],
                    out_hbm.at[pl.ds(base_w + (c + p) * CHUNK, CHUNK)])

        if tail:
            off_t = n_full * CHUNK
            ca = pltpu.async_copy(
                nw_hbm.at[si_all.at[pl.ds(off_t, tail)]],
                av0.at[pl.ds(0, tail)], sa0)
            cb = pltpu.async_copy(
                emb_hbm.at[ti_all.at[pl.ds(off_t, tail)]],
                bv0.at[pl.ds(0, tail)], sb0)
            ca.wait()
            cb.wait()
            compute_chunk(av0, bv0, sv0, tail)
            pltpu.sync_copy(
                sv0.at[pl.ds(0, tail)],
                out_hbm.at[pl.ds(base_w + off_t, tail)])

    return k(node_w, emb, src, tgt, bias16)


def kernel(node_embeddings, edge_index, W, b):
    emb = node_embeddings.astype(jnp.float32)
    w = W[0].astype(jnp.float32)
    src = edge_index[0]
    tgt = edge_index[1]
    bias16 = jnp.broadcast_to(b.astype(jnp.float32), (L,))
    node_w = _node_transform(emb, w)
    return _sc_scores(node_w, emb, src, tgt, bias16)

# --- scband reference (transcript-rebuilt; emitter-appended) ---
"""Pipeline reference for scband-bilinear-head-68599217652382 (READ-ONLY COPY).

The authoritative reference and input builder live on the scoring server;
editing this copy changes nothing except your own understanding.
"""

import jax, jax.numpy as jnp
import numpy as np

N_NODES = 10000
N_EDGES = 320000
D = 128


def setup_inputs(seed: int = 0) -> dict:
    key = jax.random.key(seed)
    k1, k2, k3 = jax.random.split(key, 3)
    node_embeddings = jax.random.normal(k1, (N_NODES, D), dtype=jnp.float32)
    edge_index = jax.random.randint(k2, (2, N_EDGES), 0, N_NODES, dtype=jnp.int32)
    # nn.Bilinear weight: [out_features=1, in1=D, in2=D], xavier_uniform init
    bound = float(np.sqrt(6.0 / (D + D)))
    W = jax.random.uniform(k3, (1, D, D), dtype=jnp.float32, minval=-bound, maxval=bound)
    b = jnp.zeros((1,), dtype=jnp.float32)
    return {"node_embeddings": node_embeddings, "edge_index": edge_index, "W": W, "b": b}


def reference(node_embeddings, edge_index, W, b):
    # gather src/tgt embeddings per edge
    src = node_embeddings[edge_index[0]]  # [E, D]
    tgt = node_embeddings[edge_index[1]]  # [E, D]
    # bilinear: score_e = src_e^T W[0] tgt_e + b[0]
    tmp = jnp.einsum('ed,df->ef', src, W[0])  # [E, D]
    scores = jnp.sum(tmp * tgt, axis=-1) + b[0]  # [E]
    scores = scores / jnp.sqrt(jnp.asarray(float(D), dtype=jnp.float32))
    return scores

if __name__ == "__main__":
    import jax
    _d = setup_inputs()
    print(jax.jit(kernel)(*tuple(_d.values())))

</pallas_src>

<mosaic_0001>
#map = affine_map<(d0, d1) -> (0, 0)>
#map1 = affine_map<(d0, d1) -> (0)>
module attributes {stable_mosaic.version = 14 : i64} {
  func.func @k(%arg0: i32, %arg1: i32, %arg2: memref<10000x128xf32, #tpu.memory_space<hbm>>, %arg3: memref<10000x128xf32, #tpu.memory_space<hbm>>, %arg4: memref<320000xi32, #tpu.memory_space<hbm>>, %arg5: memref<320000xi32, #tpu.memory_space<hbm>>, %arg6: memref<16xf32, #tpu.memory_space<hbm>>, %arg7: memref<320000xf32, #tpu.memory_space<hbm>>, %arg8: memref<10000xi32, #tpu.memory_space<vmem>>, %arg9: memref<10000xi32, #tpu.memory_space<vmem>>, %arg10: memref<128x128xf32, #tpu.memory_space<vmem>>, %arg11: memref<128x128xf32, #tpu.memory_space<vmem>>, %arg12: memref<128x128xf32, #tpu.memory_space<vmem>>, %arg13: memref<128x128xf32, #tpu.memory_space<vmem>>, %arg14: memref<128x128xf32, #tpu.memory_space<vmem>>, %arg15: memref<128x128xf32, #tpu.memory_space<vmem>>, %arg16: memref<144xf32, #tpu.memory_space<vmem>>, %arg17: memref<144xf32, #tpu.memory_space<vmem>>, %arg18: memref<144xf32, #tpu.memory_space<vmem>>, %arg19: memref<16xf32, #tpu.memory_space<vmem>>, %arg20: memref<!tpu.dma_semaphore, #tpu.memory_space<semaphore_mem>>, %arg21: memref<!tpu.dma_semaphore, #tpu.memory_space<semaphore_mem>>, %arg22: memref<!tpu.dma_semaphore, #tpu.memory_space<semaphore_mem>>, %arg23: memref<!tpu.dma_semaphore, #tpu.memory_space<semaphore_mem>>, %arg24: memref<!tpu.dma_semaphore, #tpu.memory_space<semaphore_mem>>, %arg25: memref<!tpu.dma_semaphore, #tpu.memory_space<semaphore_mem>>) attributes {dimension_semantics = [#tpu.dimension_semantics<core_parallel>, #tpu.dimension_semantics<subcore_parallel>], iteration_bounds = array<i64: 2, 16>, scalar_prefetch = 0 : i64, scratch_operands = 18 : i64, tpu.core_type = #tpu.core_type<sc_vector_subcore>, window_params = [{transform_indices = #map}, {transform_indices = #map}, {transform_indices = #map1}, {transform_indices = #map1}, {transform_indices = #map1}, {transform_indices = #map1}]} {
    %mul3A = arith.constant 2 : i32
    %mul3A_0 = arith.muli %arg1, %mul3A : i32
    %add3A = arith.addi %mul3A_0, %arg0 : i32
    %mul3A_1 = arith.constant 10000 : i32
    %mul3A_2 = arith.muli %add3A, %mul3A_1 : i32
    "tpu.region"() ({
      %run_scoped3A = tpu.sem_alloc : memref<!tpu.dma_semaphore, #tpu.memory_space<semaphore_mem>>
      %dma_start3A_70 = tpu.memref_slice %arg4[%mul3A_2] : memref<320000xi32, #tpu.memory_space<hbm>> -> memref<10000xi32, #tpu.memory_space<hbm>>
      %dma_start3A_71 = tpu.memref_slice %arg4[%mul3A_2] : memref<320000xi32, #tpu.memory_space<hbm>> -> memref<10000xi32, #tpu.memory_space<hbm>>
      tpu.enqueue_dma source(%dma_start3A_71 : memref<10000xi32, #tpu.memory_space<hbm>>) target(%arg8 : memref<10000xi32, #tpu.memory_space<vmem>>) target_semaphore(%run_scoped3A : memref<!tpu.dma_semaphore, #tpu.memory_space<semaphore_mem>>)
      %dma_wait3A_72 = tpu.memref_slice %arg4[%mul3A_2] : memref<320000xi32, #tpu.memory_space<hbm>> -> memref<10000xi32, #tpu.memory_space<hbm>>
      %dma_wait3A_73 = tpu.memref_slice %arg4[%mul3A_2] : memref<320000xi32, #tpu.memory_space<hbm>> -> memref<10000xi32, #tpu.memory_space<hbm>>
      tpu.wait_dma2 semaphore(%run_scoped3A : memref<!tpu.dma_semaphore, #tpu.memory_space<semaphore_mem>>) src(%dma_wait3A_73 : memref<10000xi32, #tpu.memory_space<hbm>>) dst(%arg8 : memref<10000xi32, #tpu.memory_space<vmem>>)
      tpu.yield
    }) : () -> ()
    "tpu.region"() ({
      %run_scoped3A = tpu.sem_alloc : memref<!tpu.dma_semaphore, #tpu.memory_space<semaphore_mem>>
      %dma_start3A_70 = tpu.memref_slice %arg5[%mul3A_2] : memref<320000xi32, #tpu.memory_space<hbm>> -> memref<10000xi32, #tpu.memory_space<hbm>>
      %dma_start3A_71 = tpu.memref_slice %arg5[%mul3A_2] : memref<320000xi32, #tpu.memory_space<hbm>> -> memref<10000xi32, #tpu.memory_space<hbm>>
      tpu.enqueue_dma source(%dma_start3A_71 : memref<10000xi32, #tpu.memory_space<hbm>>) target(%arg9 : memref<10000xi32, #tpu.memory_space<vmem>>) target_semaphore(%run_scoped3A : memref<!tpu.dma_semaphore, #tpu.memory_space<semaphore_mem>>)
      %dma_wait3A_72 = tpu.memref_slice %arg5[%mul3A_2] : memref<320000xi32, #tpu.memory_space<hbm>> -> memref<10000xi32, #tpu.memory_space<hbm>>
      %dma_wait3A_73 = tpu.memref_slice %arg5[%mul3A_2] : memref<320000xi32, #tpu.memory_space<hbm>> -> memref<10000xi32, #tpu.memory_space<hbm>>
      tpu.wait_dma2 semaphore(%run_scoped3A : memref<!tpu.dma_semaphore, #tpu.memory_space<semaphore_mem>>) src(%dma_wait3A_73 : memref<10000xi32, #tpu.memory_space<hbm>>) dst(%arg9 : memref<10000xi32, #tpu.memory_space<vmem>>)
      tpu.yield
    }) : () -> ()
    "tpu.region"() ({
      %run_scoped3A = tpu.sem_alloc : memref<!tpu.dma_semaphore, #tpu.memory_space<semaphore_mem>>
      tpu.enqueue_dma source(%arg6 : memref<16xf32, #tpu.memory_space<hbm>>) target(%arg19 : memref<16xf32, #tpu.memory_space<vmem>>) target_semaphore(%run_scoped3A : memref<!tpu.dma_semaphore, #tpu.memory_space<semaphore_mem>>)
      tpu.wait_dma2 semaphore(%run_scoped3A : memref<!tpu.dma_semaphore, #tpu.memory_space<semaphore_mem>>) src(%arg6 : memref<16xf32, #tpu.memory_space<hbm>>) dst(%arg19 : memref<16xf32, #tpu.memory_space<vmem>>)
      tpu.yield
    }) : () -> ()
    %get3A = arith.constant 0 : index
    %get3A_3 = tpu.vector_load %arg19[%get3A] {strides = array<i32>} : memref<16xf32, #tpu.memory_space<vmem>>, vector<16xf32>,
    %mul3A_4 = arith.constant 0.0883883461 : f32
    %mul3A_5 = vector.broadcast %mul3A_4 : f32 to vector<16xf32>
    %mul3A_6 = arith.mulf %get3A_3, %mul3A_5 : vector<16xf32>
    %iota3A = tpu.iota {dimensions = array<i32: 0>} : vector<16xi32>
    %eq3A = arith.constant 15 : i32
    %eq3A_7 = vector.broadcast %eq3A : i32 to vector<16xi32>
    %eq3A_8 = arith.cmpi eq, %iota3A, %eq3A_7 : vector<16xi32>
    %mul3A_9 = arith.constant 6.250000e-02 : f32
    %mul3A_10 = vector.broadcast %mul3A_9 : f32 to vector<16xf32>
    %mul3A_11 = arith.mulf %mul3A_6, %mul3A_10 : vector<16xf32>
    %dma_start3A = arith.constant 0 : i32
    %dma_start3A_12 = tpu.memref_slice %arg8[%dma_start3A] : memref<10000xi32, #tpu.memory_space<vmem>> -> memref<128xi32, #tpu.memory_space<vmem>>
    %dma_start3A_13 = arith.constant 0 : i32
    %dma_start3A_14 = arith.constant 0 : i32
    %dma_start3A_15 = tpu.memref_slice %arg2[%dma_start3A_13, %dma_start3A_14] : memref<10000x128xf32, #tpu.memory_space<hbm>> -> memref<10000x128xf32, #tpu.memory_space<hbm>>
    tpu.enqueue_indirect_dma source(%dma_start3A_15 : memref<10000x128xf32, #tpu.memory_space<hbm>>) target(%arg10 : memref<128x128xf32, #tpu.memory_space<vmem>>) offsets(%dma_start3A_12 : memref<128xi32, #tpu.memory_space<vmem>>) semaphore(%arg20 : memref<!tpu.dma_semaphore, #tpu.memory_space<semaphore_mem>>)
    %dma_start3A_16 = arith.constant 0 : i32
    %dma_start3A_17 = tpu.memref_slice %arg9[%dma_start3A_16] : memref<10000xi32, #tpu.memory_space<vmem>> -> memref<128xi32, #tpu.memory_space<vmem>>
    %dma_start3A_18 = arith.constant 0 : i32
    %dma_start3A_19 = arith.constant 0 : i32
    %dma_start3A_20 = tpu.memref_slice %arg3[%dma_start3A_18, %dma_start3A_19] : memref<10000x128xf32, #tpu.memory_space<hbm>> -> memref<10000x128xf32, #tpu.memory_space<hbm>>
    tpu.enqueue_indirect_dma source(%dma_start3A_20 : memref<10000x128xf32, #tpu.memory_space<hbm>>) target(%arg11 : memref<128x128xf32, #tpu.memory_space<vmem>>) offsets(%dma_start3A_17 : memref<128xi32, #tpu.memory_space<vmem>>) semaphore(%arg21 : memref<!tpu.dma_semaphore, #tpu.memory_space<semaphore_mem>>)
    %dma_start3A_21 = arith.constant 128 : i32
    %dma_start3A_22 = tpu.memref_slice %arg8[%dma_start3A_21] : memref<10000xi32, #tpu.memory_space<vmem>> -> memref<128xi32, #tpu.memory_space<vmem>>
    %dma_start3A_23 = arith.constant 0 : i32
    %dma_start3A_24 = arith.constant 0 : i32
    %dma_start3A_25 = tpu.memref_slice %arg2[%dma_start3A_23, %dma_start3A_24] : memref<10000x128xf32, #tpu.memory_space<hbm>> -> memref<10000x128xf32, #tpu.memory_space<hbm>>
    tpu.enqueue_indirect_dma source(%dma_start3A_25 : memref<10000x128xf32, #tpu.memory_space<hbm>>) target(%arg12 : memref<128x128xf32, #tpu.memory_space<vmem>>) offsets(%dma_start3A_22 : memref<128xi32, #tpu.memory_space<vmem>>) semaphore(%arg22 : memref<!tpu.dma_semaphore, #tpu.memory_space<semaphore_mem>>)
    %dma_start3A_26 = arith.constant 128 : i32
    %dma_start3A_27 = tpu.memref_slice %arg9[%dma_start3A_26] : memref<10000xi32, #tpu.memory_space<vmem>> -> memref<128xi32, #tpu.memory_space<vmem>>
    %dma_start3A_28 = arith.constant 0 : i32
    %dma_start3A_29 = arith.constant 0 : i32
    %dma_start3A_30 = tpu.memref_slice %arg3[%dma_start3A_28, %dma_start3A_29] : memref<10000x128xf32, #tpu.memory_space<hbm>> -> memref<10000x128xf32, #tpu.memory_space<hbm>>
    tpu.enqueue_indirect_dma source(%dma_start3A_30 : memref<10000x128xf32, #tpu.memory_space<hbm>>) target(%arg13 : memref<128x128xf32, #tpu.memory_space<vmem>>) offsets(%dma_start3A_27 : memref<128xi32, #tpu.memory_space<vmem>>) semaphore(%arg23 : memref<!tpu.dma_semaphore, #tpu.memory_space<semaphore_mem>>)
    %scan3A = arith.constant 0 : i32
    %scan3A_31 = arith.constant 26 : i32
    %scan3A_32 = arith.addi %scan3A, %scan3A_31 : i32
    %scan3A_33 = arith.constant 1 : i32
    scf.for %scan3A_70 = %scan3A to %scan3A_32 step %scan3A_33  : i32 {
      %mul3A_71 = arith.constant 3 : i32
      %mul3A_72 = arith.muli %scan3A_70, %mul3A_71 : i32
      %add3A_73 = arith.constant 0 : i32
      %add3A_74 = arith.addi %add3A_73, %mul3A_72 : i32
      %dma_wait3A_75 = arith.constant 0 : i32
      %dma_wait3A_76 = tpu.memref_slice %arg8[%dma_wait3A_75] : memref<10000xi32, #tpu.memory_space<vmem>> -> memref<128xi32, #tpu.memory_space<vmem>>
      %dma_wait3A_77 = arith.constant 0 : i32
      %dma_wait3A_78 = arith.constant 0 : i32
      %dma_wait3A_79 = tpu.memref_slice %arg2[%dma_wait3A_77, %dma_wait3A_78] : memref<10000x128xf32, #tpu.memory_space<hbm>> -> memref<10000x128xf32, #tpu.memory_space<hbm>>
      tpu.wait_indirect_dma semaphore(%arg20 : memref<!tpu.dma_semaphore, #tpu.memory_space<semaphore_mem>>) src(%dma_wait3A_79 : memref<10000x128xf32, #tpu.memory_space<hbm>>) dst(%arg10 : memref<128x128xf32, #tpu.memory_space<vmem>>)
      %dma_wait3A_80 = arith.constant 0 : i32
      %dma_wait3A_81 = tpu.memref_slice %arg9[%dma_wait3A_80] : memref<10000xi32, #tpu.memory_space<vmem>> -> memref<128xi32, #tpu.memory_space<vmem>>
      %dma_wait3A_82 = arith.constant 0 : i32
      %dma_wait3A_83 = arith.constant 0 : i32
      %dma_wait3A_84 = tpu.memref_slice %arg3[%dma_wait3A_82, %dma_wait3A_83] : memref<10000x128xf32, #tpu.memory_space<hbm>> -> memref<10000x128xf32, #tpu.memory_space<hbm>>
      tpu.wait_indirect_dma semaphore(%arg21 : memref<!tpu.dma_semaphore, #tpu.memory_space<semaphore_mem>>) src(%dma_wait3A_84 : memref<10000x128xf32, #tpu.memory_space<hbm>>) dst(%arg11 : memref<128x128xf32, #tpu.memory_space<vmem>>)
      %add3A_85 = arith.constant 0 : i32
      %add3A_86 = arith.addi %add3A_74, %add3A_85 : i32
      %add3A_87 = arith.constant 2 : i32
      %add3A_88 = arith.addi %add3A_86, %add3A_87 : i32
      %lt3A = arith.constant 78 : i32
      %lt3A_89 = arith.cmpi slt, %add3A_88, %lt3A : i32
      %convert_element_type3A = arith.extui %lt3A_89 : i1 to i32
      %cond3A = arith.constant 0 : i32
      %cond3A_90 = arith.cmpi ne, %convert_element_type3A, %cond3A : i32
      scf.if %cond3A_90 {
        %add3A_153 = arith.constant 0 : i32
        %add3A_154 = arith.addi %add3A_74, %add3A_153 : i32
        %add3A_155 = arith.constant 2 : i32
        %add3A_156 = arith.addi %add3A_154, %add3A_155 : i32
        %mul3A_157 = arith.constant 128 : i32
        %mul3A_158 = arith.muli %add3A_156, %mul3A_157 : i32
        %dma_start3A_159 = tpu.memref_slice %arg8[%mul3A_158] : memref<10000xi32, #tpu.memory_space<vmem>> -> memref<128xi32, #tpu.memory_space<vmem>>
        %dma_start3A_160 = arith.constant 0 : i32
        %dma_start3A_161 = arith.constant 0 : i32
        %dma_start3A_162 = tpu.memref_slice %arg2[%dma_start3A_160, %dma_start3A_161] : memref<10000x128xf32, #tpu.memory_space<hbm>> -> memref<10000x128xf32, #tpu.memory_space<hbm>>
        tpu.enqueue_indirect_dma source(%dma_start3A_162 : memref<10000x128xf32, #tpu.memory_space<hbm>>) target(%arg14 : memref<128x128xf32, #tpu.memory_space<vmem>>) offsets(%dma_start3A_159 : memref<128xi32, #tpu.memory_space<vmem>>) semaphore(%arg24 : memref<!tpu.dma_semaphore, #tpu.memory_space<semaphore_mem>>)
        %dma_start3A_163 = tpu.memref_slice %arg9[%mul3A_158] : memref<10000xi32, #tpu.memory_space<vmem>> -> memref<128xi32, #tpu.memory_space<vmem>>
        %dma_start3A_164 = arith.constant 0 : i32
        %dma_start3A_165 = arith.constant 0 : i32
        %dma_start3A_166 = tpu.memref_slice %arg3[%dma_start3A_164, %dma_start3A_165] : memref<10000x128xf32, #tpu.memory_space<hbm>> -> memref<10000x128xf32, #tpu.memory_space<hbm>>
        tpu.enqueue_indirect_dma source(%dma_start3A_166 : memref<10000x128xf32, #tpu.memory_space<hbm>>) target(%arg15 : memref<128x128xf32, #tpu.memory_space<vmem>>) offsets(%dma_start3A_163 : memref<128xi32, #tpu.memory_space<vmem>>) semaphore(%arg25 : memref<!tpu.dma_semaphore, #tpu.memory_space<semaphore_mem>>)
      } else {
      }
      %parallel_loop3A_91 = arith.constant 0 : i32
      %parallel_loop3A_92 = arith.constant 128 : i32
      %parallel_loop3A_93 = arith.constant 1 : i32
      scf.for %parallel_loop3A_153 = %parallel_loop3A_91 to %parallel_loop3A_92 step %parallel_loop3A_93  : i32 {
        %parallel_loop3A_154 = arith.index_cast %parallel_loop3A_153 : i32 to index
        %parallel_loop3A_155 = arith.constant 0 : index
        %parallel_loop3A_156 = tpu.vector_load %arg10[%parallel_loop3A_154, %parallel_loop3A_155] {strides = array<i32>} : memref<128x128xf32, #tpu.memory_space<vmem>>, vector<16xf32>,
        %parallel_loop3A_157 = arith.index_cast %parallel_loop3A_153 : i32 to index
        %parallel_loop3A_158 = arith.constant 0 : index
        %parallel_loop3A_159 = tpu.vector_load %arg11[%parallel_loop3A_157, %parallel_loop3A_158] {strides = array<i32>} : memref<128x128xf32, #tpu.memory_space<vmem>>, vector<16xf32>,
        %parallel_loop3A_160 = arith.mulf %parallel_loop3A_156, %parallel_loop3A_159 : vector<16xf32>
        %parallel_loop3A_161 = arith.index_cast %parallel_loop3A_153 : i32 to index
        %parallel_loop3A_162 = arith.constant 16 : index
        %parallel_loop3A_163 = tpu.vector_load %arg10[%parallel_loop3A_161, %parallel_loop3A_162] {strides = array<i32>} : memref<128x128xf32, #tpu.memory_space<vmem>>, vector<16xf32>,
        %parallel_loop3A_164 = arith.index_cast %parallel_loop3A_153 : i32 to index
        %parallel_loop3A_165 = arith.constant 16 : index
        %parallel_loop3A_166 = tpu.vector_load %arg11[%parallel_loop3A_164, %parallel_loop3A_165] {strides = array<i32>} : memref<128x128xf32, #tpu.memory_space<vmem>>, vector<16xf32>,
        %parallel_loop3A_167 = arith.mulf %parallel_loop3A_163, %parallel_loop3A_166 : vector<16xf32>
        %parallel_loop3A_168 = arith.index_cast %parallel_loop3A_153 : i32 to index
        %parallel_loop3A_169 = arith.constant 32 : index
        %parallel_loop3A_170 = tpu.vector_load %arg10[%parallel_loop3A_168, %parallel_loop3A_169] {strides = array<i32>} : memref<128x128xf32, #tpu.memory_space<vmem>>, vector<16xf32>,
        %parallel_loop3A_171 = arith.index_cast %parallel_loop3A_153 : i32 to index
        %parallel_loop3A_172 = arith.constant 32 : index
        %parallel_loop3A_173 = tpu.vector_load %arg11[%parallel_loop3A_171, %parallel_loop3A_172] {strides = array<i32>} : memref<128x128xf32, #tpu.memory_space<vmem>>, vector<16xf32>,
        %parallel_loop3A_174 = arith.mulf %parallel_loop3A_170, %parallel_loop3A_173 : vector<16xf32>
        %parallel_loop3A_175 = arith.addf %parallel_loop3A_160, %parallel_loop3A_174 : vector<16xf32>
        %parallel_loop3A_176 = arith.index_cast %parallel_loop3A_153 : i32 to index
        %parallel_loop3A_177 = arith.constant 48 : index
        %parallel_loop3A_178 = tpu.vector_load %arg10[%parallel_loop3A_176, %parallel_loop3A_177] {strides = array<i32>} : memref<128x128xf32, #tpu.memory_space<vmem>>, vector<16xf32>,
        %parallel_loop3A_179 = arith.index_cast %parallel_loop3A_153 : i32 to index
        %parallel_loop3A_180 = arith.constant 48 : index
        %parallel_loop3A_181 = tpu.vector_load %arg11[%parallel_loop3A_179, %parallel_loop3A_180] {strides = array<i32>} : memref<128x128xf32, #tpu.memory_space<vmem>>, vector<16xf32>,
        %parallel_loop3A_182 = arith.mulf %parallel_loop3A_178, %parallel_loop3A_181 : vector<16xf32>
        %parallel_loop3A_183 = arith.addf %parallel_loop3A_167, %parallel_loop3A_182 : vector<16xf32>
        %parallel_loop3A_184 = arith.index_cast %parallel_loop3A_153 : i32 to index
        %parallel_loop3A_185 = arith.constant 64 : index
        %parallel_loop3A_186 = tpu.vector_load %arg10[%parallel_loop3A_184, %parallel_loop3A_185] {strides = array<i32>} : memref<128x128xf32, #tpu.memory_space<vmem>>, vector<16xf32>,
        %parallel_loop3A_187 = arith.index_cast %parallel_loop3A_153 : i32 to index
        %parallel_loop3A_188 = arith.constant 64 : index
        %parallel_loop3A_189 = tpu.vector_load %arg11[%parallel_loop3A_187, %parallel_loop3A_188] {strides = array<i32>} : memref<128x128xf32, #tpu.memory_space<vmem>>, vector<16xf32>,
        %parallel_loop3A_190 = arith.mulf %parallel_loop3A_186, %parallel_loop3A_189 : vector<16xf32>
        %parallel_loop3A_191 = arith.addf %parallel_loop3A_175, %parallel_loop3A_190 : vector<16xf32>
        %parallel_loop3A_192 = arith.index_cast %parallel_loop3A_153 : i32 to index
        %parallel_loop3A_193 = arith.constant 80 : index
        %parallel_loop3A_194 = tpu.vector_load %arg10[%parallel_loop3A_192, %parallel_loop3A_193] {strides = array<i32>} : memref<128x128xf32, #tpu.memory_space<vmem>>, vector<16xf32>,
        %parallel_loop3A_195 = arith.index_cast %parallel_loop3A_153 : i32 to index
        %parallel_loop3A_196 = arith.constant 80 : index
        %parallel_loop3A_197 = tpu.vector_load %arg11[%parallel_loop3A_195, %parallel_loop3A_196] {strides = array<i32>} : memref<128x128xf32, #tpu.memory_space<vmem>>, vector<16xf32>,
        %parallel_loop3A_198 = arith.mulf %parallel_loop3A_194, %parallel_loop3A_197 : vector<16xf32>
        %parallel_loop3A_199 = arith.addf %parallel_loop3A_183, %parallel_loop3A_198 : vector<16xf32>
        %parallel_loop3A_200 = arith.index_cast %parallel_loop3A_153 : i32 to index
        %parallel_loop3A_201 = arith.constant 96 : index
        %parallel_loop3A_202 = tpu.vector_load %arg10[%parallel_loop3A_200, %parallel_loop3A_201] {strides = array<i32>} : memref<128x128xf32, #tpu.memory_space<vmem>>, vector<16xf32>,
        %parallel_loop3A_203 = arith.index_cast %parallel_loop3A_153 : i32 to index
        %parallel_loop3A_204 = arith.constant 96 : index
        %parallel_loop3A_205 = tpu.vector_load %arg11[%parallel_loop3A_203, %parallel_loop3A_204] {strides = array<i32>} : memref<128x128xf32, #tpu.memory_space<vmem>>, vector<16xf32>,
        %parallel_loop3A_206 = arith.mulf %parallel_loop3A_202, %parallel_loop3A_205 : vector<16xf32>
        %parallel_loop3A_207 = arith.addf %parallel_loop3A_191, %parallel_loop3A_206 : vector<16xf32>
        %parallel_loop3A_208 = arith.index_cast %parallel_loop3A_153 : i32 to index
        %parallel_loop3A_209 = arith.constant 112 : index
        %parallel_loop3A_210 = tpu.vector_load %arg10[%parallel_loop3A_208, %parallel_loop3A_209] {strides = array<i32>} : memref<128x128xf32, #tpu.memory_space<vmem>>, vector<16xf32>,
        %parallel_loop3A_211 = arith.index_cast %parallel_loop3A_153 : i32 to index
        %parallel_loop3A_212 = arith.constant 112 : index
        %parallel_loop3A_213 = tpu.vector_load %arg11[%parallel_loop3A_211, %parallel_loop3A_212] {strides = array<i32>} : memref<128x128xf32, #tpu.memory_space<vmem>>, vector<16xf32>,
        %parallel_loop3A_214 = arith.mulf %parallel_loop3A_210, %parallel_loop3A_213 : vector<16xf32>
        %parallel_loop3A_215 = arith.addf %parallel_loop3A_199, %parallel_loop3A_214 : vector<16xf32>
        %parallel_loop3A_216 = arith.addf %parallel_loop3A_207, %parallel_loop3A_215 : vector<16xf32>
        %parallel_loop3A_217 = arith.addf %parallel_loop3A_216, %mul3A_11 : vector<16xf32>
        %parallel_loop3A_218 = arith.constant true
        %parallel_loop3A_219 = vector.broadcast %parallel_loop3A_218 : i1 to vector<16xi1>
        %parallel_loop3A_220 = tpu.scan <sum>, %parallel_loop3A_217 masked %parallel_loop3A_219 : vector<16xf32>, vector<16xi1> -> vector<16xf32>
        %parallel_loop3A_221 = arith.index_cast %parallel_loop3A_153 : i32 to index
        %parallel_loop3A_222 = tpu.vector_load %arg16[%parallel_loop3A_221] masked %eq3A_8 {strides = array<i32>} : memref<144xf32, #tpu.memory_space<vmem>>, vector<16xf32>, vector<16xi1>
        tpu.vector_store %arg16[%parallel_loop3A_221], %parallel_loop3A_220 masked %eq3A_8 {strides = array<i32>} : memref<144xf32, #tpu.memory_space<vmem>>, vector<16xf32>, vector<16xi1>
      } {sc.loop_unroll_factor = 2 : i64, sc.parallel_access}
      %add3A_94 = arith.constant 0 : i32
      %add3A_95 = arith.addi %add3A_74, %add3A_94 : i32
      %mul3A_96 = arith.constant 128 : i32
      %mul3A_97 = arith.muli %add3A_95, %mul3A_96 : i32
      %add3A_98 = arith.addi %mul3A_2, %mul3A_97 : i32
      "tpu.region"() ({
        %run_scoped3A = tpu.sem_alloc : memref<!tpu.dma_semaphore, #tpu.memory_space<semaphore_mem>>
        %dma_start3A_153 = arith.constant 0 : i32
        %dma_start3A_154 = tpu.memref_slice %arg16[%dma_start3A_153] : memref<144xf32, #tpu.memory_space<vmem>> -> memref<128xf32, #tpu.memory_space<vmem>>
        %dma_start3A_155 = tpu.memref_slice %arg7[%add3A_98] : memref<320000xf32, #tpu.memory_space<hbm>> -> memref<128xf32, #tpu.memory_space<hbm>>
        %dma_start3A_156 = tpu.memref_slice %arg7[%add3A_98] : memref<320000xf32, #tpu.memory_space<hbm>> -> memref<128xf32, #tpu.memory_space<hbm>>
        %dma_start3A_157 = arith.constant 0 : i32
        %dma_start3A_158 = tpu.memref_slice %arg16[%dma_start3A_157] : memref<144xf32, #tpu.memory_space<vmem>> -> memref<128xf32, #tpu.memory_space<vmem>>
        tpu.enqueue_dma source(%dma_start3A_158 : memref<128xf32, #tpu.memory_space<vmem>>) target(%dma_start3A_156 : memref<128xf32, #tpu.memory_space<hbm>>) target_semaphore(%run_scoped3A : memref<!tpu.dma_semaphore, #tpu.memory_space<semaphore_mem>>)
        %dma_wait3A_159 = arith.constant 0 : i32
        %dma_wait3A_160 = tpu.memref_slice %arg16[%dma_wait3A_159] : memref<144xf32, #tpu.memory_space<vmem>> -> memref<128xf32, #tpu.memory_space<vmem>>
        %dma_wait3A_161 = tpu.memref_slice %arg7[%add3A_98] : memref<320000xf32, #tpu.memory_space<hbm>> -> memref<128xf32, #tpu.memory_space<hbm>>
        %dma_wait3A_162 = tpu.memref_slice %arg7[%add3A_98] : memref<320000xf32, #tpu.memory_space<hbm>> -> memref<128xf32, #tpu.memory_space<hbm>>
        %dma_wait3A_163 = arith.constant 0 : i32
        %dma_wait3A_164 = tpu.memref_slice %arg16[%dma_wait3A_163] : memref<144xf32, #tpu.memory_space<vmem>> -> memref<128xf32, #tpu.memory_space<vmem>>
        tpu.wait_dma2 semaphore(%run_scoped3A : memref<!tpu.dma_semaphore, #tpu.memory_space<semaphore_mem>>) src(%dma_wait3A_164 : memref<128xf32, #tpu.memory_space<vmem>>) dst(%dma_wait3A_162 : memref<128xf32, #tpu.memory_space<hbm>>)
        tpu.yield
      }) : () -> ()
      %dma_wait3A_99 = arith.constant 0 : i32
      %dma_wait3A_100 = tpu.memref_slice %arg8[%dma_wait3A_99] : memref<10000xi32, #tpu.memory_space<vmem>> -> memref<128xi32, #tpu.memory_space<vmem>>
      %dma_wait3A_101 = arith.constant 0 : i32
      %dma_wait3A_102 = arith.constant 0 : i32
      %dma_wait3A_103 = tpu.memref_slice %arg2[%dma_wait3A_101, %dma_wait3A_102] : memref<10000x128xf32, #tpu.memory_space<hbm>> -> memref<10000x128xf32, #tpu.memory_space<hbm>>
      tpu.wait_indirect_dma semaphore(%arg22 : memref<!tpu.dma_semaphore, #tpu.memory_space<semaphore_mem>>) src(%dma_wait3A_103 : memref<10000x128xf32, #tpu.memory_space<hbm>>) dst(%arg12 : memref<128x128xf32, #tpu.memory_space<vmem>>)
      %dma_wait3A_104 = arith.constant 0 : i32
      %dma_wait3A_105 = tpu.memref_slice %arg9[%dma_wait3A_104] : memref<10000xi32, #tpu.memory_space<vmem>> -> memref<128xi32, #tpu.memory_space<vmem>>
      %dma_wait3A_106 = arith.constant 0 : i32
      %dma_wait3A_107 = arith.constant 0 : i32
      %dma_wait3A_108 = tpu.memref_slice %arg3[%dma_wait3A_106, %dma_wait3A_107] : memref<10000x128xf32, #tpu.memory_space<hbm>> -> memref<10000x128xf32, #tpu.memory_space<hbm>>
      tpu.wait_indirect_dma semaphore(%arg23 : memref<!tpu.dma_semaphore, #tpu.memory_space<semaphore_mem>>) src(%dma_wait3A_108 : memref<10000x128xf32, #tpu.memory_space<hbm>>) dst(%arg13 : memref<128x128xf32, #tpu.memory_space<vmem>>)
      %add3A_109 = arith.constant 1 : i32
      %add3A_110 = arith.addi %add3A_74, %add3A_109 : i32
      %add3A_111 = arith.constant 2 : i32
      %add3A_112 = arith.addi %add3A_110, %add3A_111 : i32
      %lt3A_113 = arith.constant 78 : i32
      %lt3A_114 = arith.cmpi slt, %add3A_112, %lt3A_113 : i32
      %convert_element_type3A_115 = arith.extui %lt3A_114 : i1 to i32
      %cond3A_116 = arith.constant 0 : i32
      %cond3A_117 = arith.cmpi ne, %convert_element_type3A_115, %cond3A_116 : i32
      scf.if %cond3A_117 {
        %add3A_153 = arith.constant 1 : i32
        %add3A_154 = arith.addi %add3A_74, %add3A_153 : i32
        %add3A_155 = arith.constant 2 : i32
        %add3A_156 = arith.addi %add3A_154, %add3A_155 : i32
        %mul3A_157 = arith.constant 128 : i32
        %mul3A_158 = arith.muli %add3A_156, %mul3A_157 : i32
        %dma_start3A_159 = tpu.memref_slice %arg8[%mul3A_158] : memref<10000xi32, #tpu.memory_space<vmem>> -> memref<128xi32, #tpu.memory_space<vmem>>
        %dma_start3A_160 = arith.constant 0 : i32
        %dma_start3A_161 = arith.constant 0 : i32
        %dma_start3A_162 = tpu.memref_slice %arg2[%dma_start3A_160, %dma_start3A_161] : memref<10000x128xf32, #tpu.memory_space<hbm>> -> memref<10000x128xf32, #tpu.memory_space<hbm>>
        tpu.enqueue_indirect_dma source(%dma_start3A_162 : memref<10000x128xf32, #tpu.memory_space<hbm>>) target(%arg10 : memref<128x128xf32, #tpu.memory_space<vmem>>) offsets(%dma_start3A_159 : memref<128xi32, #tpu.memory_space<vmem>>) semaphore(%arg20 : memref<!tpu.dma_semaphore, #tpu.memory_space<semaphore_mem>>)
        %dma_start3A_163 = tpu.memref_slice %arg9[%mul3A_158] : memref<10000xi32, #tpu.memory_space<vmem>> -> memref<128xi32, #tpu.memory_space<vmem>>
        %dma_start3A_164 = arith.constant 0 : i32
        %dma_start3A_165 = arith.constant 0 : i32
        %dma_start3A_166 = tpu.memref_slice %arg3[%dma_start3A_164, %dma_start3A_165] : memref<10000x128xf32, #tpu.memory_space<hbm>> -> memref<10000x128xf32, #tpu.memory_space<hbm>>
        tpu.enqueue_indirect_dma source(%dma_start3A_166 : memref<10000x128xf32, #tpu.memory_space<hbm>>) target(%arg11 : memref<128x128xf32, #tpu.memory_space<vmem>>) offsets(%dma_start3A_163 : memref<128xi32, #tpu.memory_space<vmem>>) semaphore(%arg21 : memref<!tpu.dma_semaphore, #tpu.memory_space<semaphore_mem>>)
      } else {
      }
      %parallel_loop3A_118 = arith.constant 0 : i32
      %parallel_loop3A_119 = arith.constant 128 : i32
      %parallel_loop3A_120 = arith.constant 1 : i32
      scf.for %parallel_loop3A_153 = %parallel_loop3A_118 to %parallel_loop3A_119 step %parallel_loop3A_120  : i32 {
        %parallel_loop3A_154 = arith.index_cast %parallel_loop3A_153 : i32 to index
        %parallel_loop3A_155 = arith.constant 0 : index
        %parallel_loop3A_156 = tpu.vector_load %arg12[%parallel_loop3A_154, %parallel_loop3A_155] {strides = array<i32>} : memref<128x128xf32, #tpu.memory_space<vmem>>, vector<16xf32>,
        %parallel_loop3A_157 = arith.index_cast %parallel_loop3A_153 : i32 to index
        %parallel_loop3A_158 = arith.constant 0 : index
        %parallel_loop3A_159 = tpu.vector_load %arg13[%parallel_loop3A_157, %parallel_loop3A_158] {strides = array<i32>} : memref<128x128xf32, #tpu.memory_space<vmem>>, vector<16xf32>,
        %parallel_loop3A_160 = arith.mulf %parallel_loop3A_156, %parallel_loop3A_159 : vector<16xf32>
        %parallel_loop3A_161 = arith.index_cast %parallel_loop3A_153 : i32 to index
        %parallel_loop3A_162 = arith.constant 16 : index
        %parallel_loop3A_163 = tpu.vector_load %arg12[%parallel_loop3A_161, %parallel_loop3A_162] {strides = array<i32>} : memref<128x128xf32, #tpu.memory_space<vmem>>, vector<16xf32>,
        %parallel_loop3A_164 = arith.index_cast %parallel_loop3A_153 : i32 to index
        %parallel_loop3A_165 = arith.constant 16 : index
        %parallel_loop3A_166 = tpu.vector_load %arg13[%parallel_loop3A_164, %parallel_loop3A_165] {strides = array<i32>} : memref<128x128xf32, #tpu.memory_space<vmem>>, vector<16xf32>,
        %parallel_loop3A_167 = arith.mulf %parallel_loop3A_163, %parallel_loop3A_166 : vector<16xf32>
        %parallel_loop3A_168 = arith.index_cast %parallel_loop3A_153 : i32 to index
        %parallel_loop3A_169 = arith.constant 32 : index
        %parallel_loop3A_170 = tpu.vector_load %arg12[%parallel_loop3A_168, %parallel_loop3A_169] {strides = array<i32>} : memref<128x128xf32, #tpu.memory_space<vmem>>, vector<16xf32>,
        %parallel_loop3A_171 = arith.index_cast %parallel_loop3A_153 : i32 to index
        %parallel_loop3A_172 = arith.constant 32 : index
        %parallel_loop3A_173 = tpu.vector_load %arg13[%parallel_loop3A_171, %parallel_loop3A_172] {strides = array<i32>} : memref<128x128xf32, #tpu.memory_space<vmem>>, vector<16xf32>,
        %parallel_loop3A_174 = arith.mulf %parallel_loop3A_170, %parallel_loop3A_173 : vector<16xf32>
        %parallel_loop3A_175 = arith.addf %parallel_loop3A_160, %parallel_loop3A_174 : vector<16xf32>
        %parallel_loop3A_176 = arith.index_cast %parallel_loop3A_153 : i32 to index
        %parallel_loop3A_177 = arith.constant 48 : index
        %parallel_loop3A_178 = tpu.vector_load %arg12[%parallel_loop3A_176, %parallel_loop3A_177] {strides = array<i32>} : memref<128x128xf32, #tpu.memory_space<vmem>>, vector<16xf32>,
        %parallel_loop3A_179 = arith.index_cast %parallel_loop3A_153 : i32 to index
        %parallel_loop3A_180 = arith.constant 48 : index
        %parallel_loop3A_181 = tpu.vector_load %arg13[%parallel_loop3A_179, %parallel_loop3A_180] {strides = array<i32>} : memref<128x128xf32, #tpu.memory_space<vmem>>, vector<16xf32>,
        %parallel_loop3A_182 = arith.mulf %parallel_loop3A_178, %parallel_loop3A_181 : vector<16xf32>
        %parallel_loop3A_183 = arith.addf %parallel_loop3A_167, %parallel_loop3A_182 : vector<16xf32>
        %parallel_loop3A_184 = arith.index_cast %parallel_loop3A_153 : i32 to index
        %parallel_loop3A_185 = arith.constant 64 : index
        %parallel_loop3A_186 = tpu.vector_load %arg12[%parallel_loop3A_184, %parallel_loop3A_185] {strides = array<i32>} : memref<128x128xf32, #tpu.memory_space<vmem>>, vector<16xf32>,
        %parallel_loop3A_187 = arith.index_cast %parallel_loop3A_153 : i32 to index
        %parallel_loop3A_188 = arith.constant 64 : index
        %parallel_loop3A_189 = tpu.vector_load %arg13[%parallel_loop3A_187, %parallel_loop3A_188] {strides = array<i32>} : memref<128x128xf32, #tpu.memory_space<vmem>>, vector<16xf32>,
        %parallel_loop3A_190 = arith.mulf %parallel_loop3A_186, %parallel_loop3A_189 : vector<16xf32>
        %parallel_loop3A_191 = arith.addf %parallel_loop3A_175, %parallel_loop3A_190 : vector<16xf32>
        %parallel_loop3A_192 = arith.index_cast %parallel_loop3A_153 : i32 to index
        %parallel_loop3A_193 = arith.constant 80 : index
        %parallel_loop3A_194 = tpu.vector_load %arg12[%parallel_loop3A_192, %parallel_loop3A_193] {strides = array<i32>} : memref<128x128xf32, #tpu.memory_space<vmem>>, vector<16xf32>,
        %parallel_loop3A_195 = arith.index_cast %parallel_loop3A_153 : i32 to index
        %parallel_loop3A_196 = arith.constant 80 : index
        %parallel_loop3A_197 = tpu.vector_load %arg13[%parallel_loop3A_195, %parallel_loop3A_196] {strides = array<i32>} : memref<128x128xf32, #tpu.memory_space<vmem>>, vector<16xf32>,
        %parallel_loop3A_198 = arith.mulf %parallel_loop3A_194, %parallel_loop3A_197 : vector<16xf32>
        %parallel_loop3A_199 = arith.addf %parallel_loop3A_183, %parallel_loop3A_198 : vector<16xf32>
        %parallel_loop3A_200 = arith.index_cast %parallel_loop3A_153 : i32 to index
        %parallel_loop3A_201 = arith.constant 96 : index
        %parallel_loop3A_202 = tpu.vector_load %arg12[%parallel_loop3A_200, %parallel_loop3A_201] {strides = array<i32>} : memref<128x128xf32, #tpu.memory_space<vmem>>, vector<16xf32>,
        %parallel_loop3A_203 = arith.index_cast %parallel_loop3A_153 : i32 to index
        %parallel_loop3A_204 = arith.constant 96 : index
        %parallel_loop3A_205 = tpu.vector_load %arg13[%parallel_loop3A_203, %parallel_loop3A_204] {strides = array<i32>} : memref<128x128xf32, #tpu.memory_space<vmem>>, vector<16xf32>,
        %parallel_loop3A_206 = arith.mulf %parallel_loop3A_202, %parallel_loop3A_205 : vector<16xf32>
        %parallel_loop3A_207 = arith.addf %parallel_loop3A_191, %parallel_loop3A_206 : vector<16xf32>
        %parallel_loop3A_208 = arith.index_cast %parallel_loop3A_153 : i32 to index
        %parallel_loop3A_209 = arith.constant 112 : index
        %parallel_loop3A_210 = tpu.vector_load %arg12[%parallel_loop3A_208, %parallel_loop3A_209] {strides = array<i32>} : memref<128x128xf32, #tpu.memory_space<vmem>>, vector<16xf32>,
        %parallel_loop3A_211 = arith.index_cast %parallel_loop3A_153 : i32 to index
        %parallel_loop3A_212 = arith.constant 112 : index
        %parallel_loop3A_213 = tpu.vector_load %arg13[%parallel_loop3A_211, %parallel_loop3A_212] {strides = array<i32>} : memref<128x128xf32, #tpu.memory_space<vmem>>, vector<16xf32>,
        %parallel_loop3A_214 = arith.mulf %parallel_loop3A_210, %parallel_loop3A_213 : vector<16xf32>
        %parallel_loop3A_215 = arith.addf %parallel_loop3A_199, %parallel_loop3A_214 : vector<16xf32>
        %parallel_loop3A_216 = arith.addf %parallel_loop3A_207, %parallel_loop3A_215 : vector<16xf32>
        %parallel_loop3A_217 = arith.addf %parallel_loop3A_216, %mul3A_11 : vector<16xf32>
        %parallel_loop3A_218 = arith.constant true
        %parallel_loop3A_219 = vector.broadcast %parallel_loop3A_218 : i1 to vector<16xi1>
        %parallel_loop3A_220 = tpu.scan <sum>, %parallel_loop3A_217 masked %parallel_loop3A_219 : vector<16xf32>, vector<16xi1> -> vector<16xf32>
        %parallel_loop3A_221 = arith.index_cast %parallel_loop3A_153 : i32 to index
        %parallel_loop3A_222 = tpu.vector_load %arg17[%parallel_loop3A_221] masked %eq3A_8 {strides = array<i32>} : memref<144xf32, #tpu.memory_space<vmem>>, vector<16xf32>, vector<16xi1>
        tpu.vector_store %arg17[%parallel_loop3A_221], %parallel_loop3A_220 masked %eq3A_8 {strides = array<i32>} : memref<144xf32, #tpu.memory_space<vmem>>, vector<16xf32>, vector<16xi1>
      } {sc.loop_unroll_factor = 2 : i64, sc.parallel_access}
      %add3A_121 = arith.constant 1 : i32
      %add3A_122 = arith.addi %add3A_74, %add3A_121 : i32
      %mul3A_123 = arith.constant 128 : i32
      %mul3A_124 = arith.muli %add3A_122, %mul3A_123 : i32
      %add3A_125 = arith.addi %mul3A_2, %mul3A_124 : i32
      "tpu.region"() ({
        %run_scoped3A = tpu.sem_alloc : memref<!tpu.dma_semaphore, #tpu.memory_space<semaphore_mem>>
        %dma_start3A_153 = arith.constant 0 : i32
        %dma_start3A_154 = tpu.memref_slice %arg17[%dma_start3A_153] : memref<144xf32, #tpu.memory_space<vmem>> -> memref<128xf32, #tpu.memory_space<vmem>>
        %dma_start3A_155 = tpu.memref_slice %arg7[%add3A_125] : memref<320000xf32, #tpu.memory_space<hbm>> -> memref<128xf32, #tpu.memory_space<hbm>>
        %dma_start3A_156 = tpu.memref_slice %arg7[%add3A_125] : memref<320000xf32, #tpu.memory_space<hbm>> -> memref<128xf32, #tpu.memory_space<hbm>>
        %dma_start3A_157 = arith.constant 0 : i32
        %dma_start3A_158 = tpu.memref_slice %arg17[%dma_start3A_157] : memref<144xf32, #tpu.memory_space<vmem>> -> memref<128xf32, #tpu.memory_space<vmem>>
        tpu.enqueue_dma source(%dma_start3A_158 : memref<128xf32, #tpu.memory_space<vmem>>) target(%dma_start3A_156 : memref<128xf32, #tpu.memory_space<hbm>>) target_semaphore(%run_scoped3A : memref<!tpu.dma_semaphore, #tpu.memory_space<semaphore_mem>>)
        %dma_wait3A_159 = arith.constant 0 : i32
        %dma_wait3A_160 = tpu.memref_slice %arg17[%dma_wait3A_159] : memref<144xf32, #tpu.memory_space<vmem>> -> memref<128xf32, #tpu.memory_space<vmem>>
        %dma_wait3A_161 = tpu.memref_slice %arg7[%add3A_125] : memref<320000xf32, #tpu.memory_space<hbm>> -> memref<128xf32, #tpu.memory_space<hbm>>
        %dma_wait3A_162 = tpu.memref_slice %arg7[%add3A_125] : memref<320000xf32, #tpu.memory_space<hbm>> -> memref<128xf32, #tpu.memory_space<hbm>>
        %dma_wait3A_163 = arith.constant 0 : i32
        %dma_wait3A_164 = tpu.memref_slice %arg17[%dma_wait3A_163] : memref<144xf32, #tpu.memory_space<vmem>> -> memref<128xf32, #tpu.memory_space<vmem>>
        tpu.wait_dma2 semaphore(%run_scoped3A : memref<!tpu.dma_semaphore, #tpu.memory_space<semaphore_mem>>) src(%dma_wait3A_164 : memref<128xf32, #tpu.memory_space<vmem>>) dst(%dma_wait3A_162 : memref<128xf32, #tpu.memory_space<hbm>>)
        tpu.yield
      }) : () -> ()
      %dma_wait3A_126 = arith.constant 0 : i32
      %dma_wait3A_127 = tpu.memref_slice %arg8[%dma_wait3A_126] : memref<10000xi32, #tpu.memory_space<vmem>> -> memref<128xi32, #tpu.memory_space<vmem>>
      %dma_wait3A_128 = arith.constant 0 : i32
      %dma_wait3A_129 = arith.constant 0 : i32
      %dma_wait3A_130 = tpu.memref_slice %arg2[%dma_wait3A_128, %dma_wait3A_129] : memref<10000x128xf32, #tpu.memory_space<hbm>> -> memref<10000x128xf32, #tpu.memory_space<hbm>>
      tpu.wait_indirect_dma semaphore(%arg24 : memref<!tpu.dma_semaphore, #tpu.memory_space<semaphore_mem>>) src(%dma_wait3A_130 : memref<10000x128xf32, #tpu.memory_space<hbm>>) dst(%arg14 : memref<128x128xf32, #tpu.memory_space<vmem>>)
      %dma_wait3A_131 = arith.constant 0 : i32
      %dma_wait3A_132 = tpu.memref_slice %arg9[%dma_wait3A_131] : memref<10000xi32, #tpu.memory_space<vmem>> -> memref<128xi32, #tpu.memory_space<vmem>>
      %dma_wait3A_133 = arith.constant 0 : i32
      %dma_wait3A_134 = arith.constant 0 : i32
      %dma_wait3A_135 = tpu.memref_slice %arg3[%dma_wait3A_133, %dma_wait3A_134] : memref<10000x128xf32, #tpu.memory_space<hbm>> -> memref<10000x128xf32, #tpu.memory_space<hbm>>
      tpu.wait_indirect_dma semaphore(%arg25 : memref<!tpu.dma_semaphore, #tpu.memory_space<semaphore_mem>>) src(%dma_wait3A_135 : memref<10000x128xf32, #tpu.memory_space<hbm>>) dst(%arg15 : memref<128x128xf32, #tpu.memory_space<vmem>>)
      %add3A_136 = arith.constant 2 : i32
      %add3A_137 = arith.addi %add3A_74, %add3A_136 : i32
      %add3A_138 = arith.constant 2 : i32
      %add3A_139 = arith.addi %add3A_137, %add3A_138 : i32
      %lt3A_140 = arith.constant 78 : i32
      %lt3A_141 = arith.cmpi slt, %add3A_139, %lt3A_140 : i32
      %convert_element_type3A_142 = arith.extui %lt3A_141 : i1 to i32
      %cond3A_143 = arith.constant 0 : i32
      %cond3A_144 = arith.cmpi ne, %convert_element_type3A_142, %cond3A_143 : i32
      scf.if %cond3A_144 {
        %add3A_153 = arith.constant 2 : i32
        %add3A_154 = arith.addi %add3A_74, %add3A_153 : i32
        %add3A_155 = arith.constant 2 : i32
        %add3A_156 = arith.addi %add3A_154, %add3A_155 : i32
        %mul3A_157 = arith.constant 128 : i32
        %mul3A_158 = arith.muli %add3A_156, %mul3A_157 : i32
        %dma_start3A_159 = tpu.memref_slice %arg8[%mul3A_158] : memref<10000xi32, #tpu.memory_space<vmem>> -> memref<128xi32, #tpu.memory_space<vmem>>
        %dma_start3A_160 = arith.constant 0 : i32
        %dma_start3A_161 = arith.constant 0 : i32
        %dma_start3A_162 = tpu.memref_slice %arg2[%dma_start3A_160, %dma_start3A_161] : memref<10000x128xf32, #tpu.memory_space<hbm>> -> memref<10000x128xf32, #tpu.memory_space<hbm>>
        tpu.enqueue_indirect_dma source(%dma_start3A_162 : memref<10000x128xf32, #tpu.memory_space<hbm>>) target(%arg12 : memref<128x128xf32, #tpu.memory_space<vmem>>) offsets(%dma_start3A_159 : memref<128xi32, #tpu.memory_space<vmem>>) semaphore(%arg22 : memref<!tpu.dma_semaphore, #tpu.memory_space<semaphore_mem>>)
        %dma_start3A_163 = tpu.memref_slice %arg9[%mul3A_158] : memref<10000xi32, #tpu.memory_space<vmem>> -> memref<128xi32, #tpu.memory_space<vmem>>
        %dma_start3A_164 = arith.constant 0 : i32
        %dma_start3A_165 = arith.constant 0 : i32
        %dma_start3A_166 = tpu.memref_slice %arg3[%dma_start3A_164, %dma_start3A_165] : memref<10000x128xf32, #tpu.memory_space<hbm>> -> memref<10000x128xf32, #tpu.memory_space<hbm>>
        tpu.enqueue_indirect_dma source(%dma_start3A_166 : memref<10000x128xf32, #tpu.memory_space<hbm>>) target(%arg13 : memref<128x128xf32, #tpu.memory_space<vmem>>) offsets(%dma_start3A_163 : memref<128xi32, #tpu.memory_space<vmem>>) semaphore(%arg23 : memref<!tpu.dma_semaphore, #tpu.memory_space<semaphore_mem>>)
      } else {
      }
      %parallel_loop3A_145 = arith.constant 0 : i32
      %parallel_loop3A_146 = arith.constant 128 : i32
      %parallel_loop3A_147 = arith.constant 1 : i32
      scf.for %parallel_loop3A_153 = %parallel_loop3A_145 to %parallel_loop3A_146 step %parallel_loop3A_147  : i32 {
        %parallel_loop3A_154 = arith.index_cast %parallel_loop3A_153 : i32 to index
        %parallel_loop3A_155 = arith.constant 0 : index
        %parallel_loop3A_156 = tpu.vector_load %arg14[%parallel_loop3A_154, %parallel_loop3A_155] {strides = array<i32>} : memref<128x128xf32, #tpu.memory_space<vmem>>, vector<16xf32>,
        %parallel_loop3A_157 = arith.index_cast %parallel_loop3A_153 : i32 to index
        %parallel_loop3A_158 = arith.constant 0 : index
        %parallel_loop3A_159 = tpu.vector_load %arg15[%parallel_loop3A_157, %parallel_loop3A_158] {strides = array<i32>} : memref<128x128xf32, #tpu.memory_space<vmem>>, vector<16xf32>,
        %parallel_loop3A_160 = arith.mulf %parallel_loop3A_156, %parallel_loop3A_159 : vector<16xf32>
        %parallel_loop3A_161 = arith.index_cast %parallel_loop3A_153 : i32 to index
        %parallel_loop3A_162 = arith.constant 16 : index
        %parallel_loop3A_163 = tpu.vector_load %arg14[%parallel_loop3A_161, %parallel_loop3A_162] {strides = array<i32>} : memref<128x128xf32, #tpu.memory_space<vmem>>, vector<16xf32>,
        %parallel_loop3A_164 = arith.index_cast %parallel_loop3A_153 : i32 to index
        %parallel_loop3A_165 = arith.constant 16 : index
        %parallel_loop3A_166 = tpu.vector_load %arg15[%parallel_loop3A_164, %parallel_loop3A_165] {strides = array<i32>} : memref<128x128xf32, #tpu.memory_space<vmem>>, vector<16xf32>,
        %parallel_loop3A_167 = arith.mulf %parallel_loop3A_163, %parallel_loop3A_166 : vector<16xf32>
        %parallel_loop3A_168 = arith.index_cast %parallel_loop3A_153 : i32 to index
        %parallel_loop3A_169 = arith.constant 32 : index
        %parallel_loop3A_170 = tpu.vector_load %arg14[%parallel_loop3A_168, %parallel_loop3A_169] {strides = array<i32>} : memref<128x128xf32, #tpu.memory_space<vmem>>, vector<16xf32>,
        %parallel_loop3A_171 = arith.index_cast %parallel_loop3A_153 : i32 to index
        %parallel_loop3A_172 = arith.constant 32 : index
        %parallel_loop3A_173 = tpu.vector_load %arg15[%parallel_loop3A_171, %parallel_loop3A_172] {strides = array<i32>} : memref<128x128xf32, #tpu.memory_space<vmem>>, vector<16xf32>,
        %parallel_loop3A_174 = arith.mulf %parallel_loop3A_170, %parallel_loop3A_173 : vector<16xf32>
        %parallel_loop3A_175 = arith.addf %parallel_loop3A_160, %parallel_loop3A_174 : vector<16xf32>
        %parallel_loop3A_176 = arith.index_cast %parallel_loop3A_153 : i32 to index
        %parallel_loop3A_177 = arith.constant 48 : index
        %parallel_loop3A_178 = tpu.vector_load %arg14[%parallel_loop3A_176, %parallel_loop3A_177] {strides = array<i32>} : memref<128x128xf32, #tpu.memory_space<vmem>>, vector<16xf32>,
        %parallel_loop3A_179 = arith.index_cast %parallel_loop3A_153 : i32 to index
        %parallel_loop3A_180 = arith.constant 48 : index
        %parallel_loop3A_181 = tpu.vector_load %arg15[%parallel_loop3A_179, %parallel_loop3A_180] {strides = array<i32>} : memref<128x128xf32, #tpu.memory_space<vmem>>, vector<16xf32>,
        %parallel_loop3A_182 = arith.mulf %parallel_loop3A_178, %parallel_loop3A_181 : vector<16xf32>
        %parallel_loop3A_183 = arith.addf %parallel_loop3A_167, %parallel_loop3A_182 : vector<16xf32>
        %parallel_loop3A_184 = arith.index_cast %parallel_loop3A_153 : i32 to index
        %parallel_loop3A_185 = arith.constant 64 : index
        %parallel_loop3A_186 = tpu.vector_load %arg14[%parallel_loop3A_184, %parallel_loop3A_185] {strides = array<i32>} : memref<128x128xf32, #tpu.memory_space<vmem>>, vector<16xf32>,
        %parallel_loop3A_187 = arith.index_cast %parallel_loop3A_153 : i32 to index
        %parallel_loop3A_188 = arith.constant 64 : index
        %parallel_loop3A_189 = tpu.vector_load %arg15[%parallel_loop3A_187, %parallel_loop3A_188] {strides = array<i32>} : memref<128x128xf32, #tpu.memory_space<vmem>>, vector<16xf32>,
        %parallel_loop3A_190 = arith.mulf %parallel_loop3A_186, %parallel_loop3A_189 : vector<16xf32>
        %parallel_loop3A_191 = arith.addf %parallel_loop3A_175, %parallel_loop3A_190 : vector<16xf32>
        %parallel_loop3A_192 = arith.index_cast %parallel_loop3A_153 : i32 to index
        %parallel_loop3A_193 = arith.constant 80 : index
        %parallel_loop3A_194 = tpu.vector_load %arg14[%parallel_loop3A_192, %parallel_loop3A_193] {strides = array<i32>} : memref<128x128xf32, #tpu.memory_space<vmem>>, vector<16xf32>,
        %parallel_loop3A_195 = arith.index_cast %parallel_loop3A_153 : i32 to index
        %parallel_loop3A_196 = arith.constant 80 : index
        %parallel_loop3A_197 = tpu.vector_load %arg15[%parallel_loop3A_195, %parallel_loop3A_196] {strides = array<i32>} : memref<128x128xf32, #tpu.memory_space<vmem>>, vector<16xf32>,
        %parallel_loop3A_198 = arith.mulf %parallel_loop3A_194, %parallel_loop3A_197 : vector<16xf32>
        %parallel_loop3A_199 = arith.addf %parallel_loop3A_183, %parallel_loop3A_198 : vector<16xf32>
        %parallel_loop3A_200 = arith.index_cast %parallel_loop3A_153 : i32 to index
        %parallel_loop3A_201 = arith.constant 96 : index
        %parallel_loop3A_202 = tpu.vector_load %arg14[%parallel_loop3A_200, %parallel_loop3A_201] {strides = array<i32>} : memref<128x128xf32, #tpu.memory_space<vmem>>, vector<16xf32>,
        %parallel_loop3A_203 = arith.index_cast %parallel_loop3A_153 : i32 to index
        %parallel_loop3A_204 = arith.constant 96 : index
        %parallel_loop3A_205 = tpu.vector_load %arg15[%parallel_loop3A_203, %parallel_loop3A_204] {strides = array<i32>} : memref<128x128xf32, #tpu.memory_space<vmem>>, vector<16xf32>,
        %parallel_loop3A_206 = arith.mulf %parallel_loop3A_202, %parallel_loop3A_205 : vector<16xf32>
        %parallel_loop3A_207 = arith.addf %parallel_loop3A_191, %parallel_loop3A_206 : vector<16xf32>
        %parallel_loop3A_208 = arith.index_cast %parallel_loop3A_153 : i32 to index
        %parallel_loop3A_209 = arith.constant 112 : index
        %parallel_loop3A_210 = tpu.vector_load %arg14[%parallel_loop3A_208, %parallel_loop3A_209] {strides = array<i32>} : memref<128x128xf32, #tpu.memory_space<vmem>>, vector<16xf32>,
        %parallel_loop3A_211 = arith.index_cast %parallel_loop3A_153 : i32 to index
        %parallel_loop3A_212 = arith.constant 112 : index
        %parallel_loop3A_213 = tpu.vector_load %arg15[%parallel_loop3A_211, %parallel_loop3A_212] {strides = array<i32>} : memref<128x128xf32, #tpu.memory_space<vmem>>, vector<16xf32>,
        %parallel_loop3A_214 = arith.mulf %parallel_loop3A_210, %parallel_loop3A_213 : vector<16xf32>
        %parallel_loop3A_215 = arith.addf %parallel_loop3A_199, %parallel_loop3A_214 : vector<16xf32>
        %parallel_loop3A_216 = arith.addf %parallel_loop3A_207, %parallel_loop3A_215 : vector<16xf32>
        %parallel_loop3A_217 = arith.addf %parallel_loop3A_216, %mul3A_11 : vector<16xf32>
        %parallel_loop3A_218 = arith.constant true
        %parallel_loop3A_219 = vector.broadcast %parallel_loop3A_218 : i1 to vector<16xi1>
        %parallel_loop3A_220 = tpu.scan <sum>, %parallel_loop3A_217 masked %parallel_loop3A_219 : vector<16xf32>, vector<16xi1> -> vector<16xf32>
        %parallel_loop3A_221 = arith.index_cast %parallel_loop3A_153 : i32 to index
        %parallel_loop3A_222 = tpu.vector_load %arg18[%parallel_loop3A_221] masked %eq3A_8 {strides = array<i32>} : memref<144xf32, #tpu.memory_space<vmem>>, vector<16xf32>, vector<16xi1>
        tpu.vector_store %arg18[%parallel_loop3A_221], %parallel_loop3A_220 masked %eq3A_8 {strides = array<i32>} : memref<144xf32, #tpu.memory_space<vmem>>, vector<16xf32>, vector<16xi1>
      } {sc.loop_unroll_factor = 2 : i64, sc.parallel_access}
      %add3A_148 = arith.constant 2 : i32
      %add3A_149 = arith.addi %add3A_74, %add3A_148 : i32
      %mul3A_150 = arith.constant 128 : i32
      %mul3A_151 = arith.muli %add3A_149, %mul3A_150 : i32
      %add3A_152 = arith.addi %mul3A_2, %mul3A_151 : i32
      "tpu.region"() ({
        %run_scoped3A = tpu.sem_alloc : memref<!tpu.dma_semaphore, #tpu.memory_space<semaphore_mem>>
        %dma_start3A_153 = arith.constant 0 : i32
        %dma_start3A_154 = tpu.memref_slice %arg18[%dma_start3A_153] : memref<144xf32, #tpu.memory_space<vmem>> -> memref<128xf32, #tpu.memory_space<vmem>>
        %dma_start3A_155 = tpu.memref_slice %arg7[%add3A_152] : memref<320000xf32, #tpu.memory_space<hbm>> -> memref<128xf32, #tpu.memory_space<hbm>>
        %dma_start3A_156 = tpu.memref_slice %arg7[%add3A_152] : memref<320000xf32, #tpu.memory_space<hbm>> -> memref<128xf32, #tpu.memory_space<hbm>>
        %dma_start3A_157 = arith.constant 0 : i32
        %dma_start3A_158 = tpu.memref_slice %arg18[%dma_start3A_157] : memref<144xf32, #tpu.memory_space<vmem>> -> memref<128xf32, #tpu.memory_space<vmem>>
        tpu.enqueue_dma source(%dma_start3A_158 : memref<128xf32, #tpu.memory_space<vmem>>) target(%dma_start3A_156 : memref<128xf32, #tpu.memory_space<hbm>>) target_semaphore(%run_scoped3A : memref<!tpu.dma_semaphore, #tpu.memory_space<semaphore_mem>>)
        %dma_wait3A_159 = arith.constant 0 : i32
        %dma_wait3A_160 = tpu.memref_slice %arg18[%dma_wait3A_159] : memref<144xf32, #tpu.memory_space<vmem>> -> memref<128xf32, #tpu.memory_space<vmem>>
        %dma_wait3A_161 = tpu.memref_slice %arg7[%add3A_152] : memref<320000xf32, #tpu.memory_space<hbm>> -> memref<128xf32, #tpu.memory_space<hbm>>
        %dma_wait3A_162 = tpu.memref_slice %arg7[%add3A_152] : memref<320000xf32, #tpu.memory_space<hbm>> -> memref<128xf32, #tpu.memory_space<hbm>>
        %dma_wait3A_163 = arith.constant 0 : i32
        %dma_wait3A_164 = tpu.memref_slice %arg18[%dma_wait3A_163] : memref<144xf32, #tpu.memory_space<vmem>> -> memref<128xf32, #tpu.memory_space<vmem>>
        tpu.wait_dma2 semaphore(%run_scoped3A : memref<!tpu.dma_semaphore, #tpu.memory_space<semaphore_mem>>) src(%dma_wait3A_164 : memref<128xf32, #tpu.memory_space<vmem>>) dst(%dma_wait3A_162 : memref<128xf32, #tpu.memory_space<hbm>>)
        tpu.yield
      }) : () -> ()
    }
    %scan3A_34 = arith.constant 26 : i32
    %dma_start3A_35 = arith.constant 0 : i32
    %dma_start3A_36 = arith.constant 0 : i32
    %dma_start3A_37 = tpu.memref_slice %arg10[%dma_start3A_35, %dma_start3A_36] : memref<128x128xf32, #tpu.memory_space<vmem>> -> memref<16x128xf32, #tpu.memory_space<vmem>>
    %dma_start3A_38 = arith.constant 9984 : i32
    %dma_start3A_39 = tpu.memref_slice %arg8[%dma_start3A_38] : memref<10000xi32, #tpu.memory_space<vmem>> -> memref<16xi32, #tpu.memory_space<vmem>>
    %dma_start3A_40 = arith.constant 0 : i32
    %dma_start3A_41 = arith.constant 0 : i32
    %dma_start3A_42 = tpu.memref_slice %arg2[%dma_start3A_40, %dma_start3A_41] : memref<10000x128xf32, #tpu.memory_space<hbm>> -> memref<10000x128xf32, #tpu.memory_space<hbm>>
    tpu.enqueue_indirect_dma source(%dma_start3A_42 : memref<10000x128xf32, #tpu.memory_space<hbm>>) target(%dma_start3A_37 : memref<16x128xf32, #tpu.memory_space<vmem>>) offsets(%dma_start3A_39 : memref<16xi32, #tpu.memory_space<vmem>>) semaphore(%arg20 : memref<!tpu.dma_semaphore, #tpu.memory_space<semaphore_mem>>)
    %dma_start3A_43 = arith.constant 0 : i32
    %dma_start3A_44 = arith.constant 0 : i32
    %dma_start3A_45 = tpu.memref_slice %arg11[%dma_start3A_43, %dma_start3A_44] : memref<128x128xf32, #tpu.memory_space<vmem>> -> memref<16x128xf32, #tpu.memory_space<vmem>>
    %dma_start3A_46 = arith.constant 9984 : i32
    %dma_start3A_47 = tpu.memref_slice %arg9[%dma_start3A_46] : memref<10000xi32, #tpu.memory_space<vmem>> -> memref<16xi32, #tpu.memory_space<vmem>>
    %dma_start3A_48 = arith.constant 0 : i32
    %dma_start3A_49 = arith.constant 0 : i32
    %dma_start3A_50 = tpu.memref_slice %arg3[%dma_start3A_48, %dma_start3A_49] : memref<10000x128xf32, #tpu.memory_space<hbm>> -> memref<10000x128xf32, #tpu.memory_space<hbm>>
    tpu.enqueue_indirect_dma source(%dma_start3A_50 : memref<10000x128xf32, #tpu.memory_space<hbm>>) target(%dma_start3A_45 : memref<16x128xf32, #tpu.memory_space<vmem>>) offsets(%dma_start3A_47 : memref<16xi32, #tpu.memory_space<vmem>>) semaphore(%arg21 : memref<!tpu.dma_semaphore, #tpu.memory_space<semaphore_mem>>)
    %dma_wait3A = arith.constant 0 : i32
    %dma_wait3A_51 = arith.constant 0 : i32
    %dma_wait3A_52 = tpu.memref_slice %arg10[%dma_wait3A, %dma_wait3A_51] : memref<128x128xf32, #tpu.memory_space<vmem>> -> memref<16x128xf32, #tpu.memory_space<vmem>>
    %dma_wait3A_53 = arith.constant 9984 : i32
    %dma_wait3A_54 = tpu.memref_slice %arg8[%dma_wait3A_53] : memref<10000xi32, #tpu.memory_space<vmem>> -> memref<16xi32, #tpu.memory_space<vmem>>
    %dma_wait3A_55 = arith.constant 0 : i32
    %dma_wait3A_56 = arith.constant 0 : i32
    %dma_wait3A_57 = tpu.memref_slice %arg2[%dma_wait3A_55, %dma_wait3A_56] : memref<10000x128xf32, #tpu.memory_space<hbm>> -> memref<10000x128xf32, #tpu.memory_space<hbm>>
    tpu.wait_indirect_dma semaphore(%arg20 : memref<!tpu.dma_semaphore, #tpu.memory_space<semaphore_mem>>) src(%dma_wait3A_57 : memref<10000x128xf32, #tpu.memory_space<hbm>>) dst(%dma_wait3A_52 : memref<16x128xf32, #tpu.memory_space<vmem>>)
    %dma_wait3A_58 = arith.constant 0 : i32
    %dma_wait3A_59 = arith.constant 0 : i32
    %dma_wait3A_60 = tpu.memref_slice %arg11[%dma_wait3A_58, %dma_wait3A_59] : memref<128x128xf32, #tpu.memory_space<vmem>> -> memref<16x128xf32, #tpu.memory_space<vmem>>
    %dma_wait3A_61 = arith.constant 9984 : i32
    %dma_wait3A_62 = tpu.memref_slice %arg9[%dma_wait3A_61] : memref<10000xi32, #tpu.memory_space<vmem>> -> memref<16xi32, #tpu.memory_space<vmem>>
    %dma_wait3A_63 = arith.constant 0 : i32
    %dma_wait3A_64 = arith.constant 0 : i32
    %dma_wait3A_65 = tpu.memref_slice %arg3[%dma_wait3A_63, %dma_wait3A_64] : memref<10000x128xf32, #tpu.memory_space<hbm>> -> memref<10000x128xf32, #tpu.memory_space<hbm>>
    tpu.wait_indirect_dma semaphore(%arg21 : memref<!tpu.dma_semaphore, #tpu.memory_space<semaphore_mem>>) src(%dma_wait3A_65 : memref<10000x128xf32, #tpu.memory_space<hbm>>) dst(%dma_wait3A_60 : memref<16x128xf32, #tpu.memory_space<vmem>>)
    %parallel_loop3A = arith.constant 0 : i32
    %parallel_loop3A_66 = arith.constant 16 : i32
    %parallel_loop3A_67 = arith.constant 1 : i32
    scf.for %parallel_loop3A_70 = %parallel_loop3A to %parallel_loop3A_66 step %parallel_loop3A_67  : i32 {
      %parallel_loop3A_71 = arith.index_cast %parallel_loop3A_70 : i32 to index
      %parallel_loop3A_72 = arith.constant 0 : index
      %parallel_loop3A_73 = tpu.vector_load %arg10[%parallel_loop3A_71, %parallel_loop3A_72] {strides = array<i32>} : memref<128x128xf32, #tpu.memory_space<vmem>>, vector<16xf32>,
      %parallel_loop3A_74 = arith.index_cast %parallel_loop3A_70 : i32 to index
      %parallel_loop3A_75 = arith.constant 0 : index
      %parallel_loop3A_76 = tpu.vector_load %arg11[%parallel_loop3A_74, %parallel_loop3A_75] {strides = array<i32>} : memref<128x128xf32, #tpu.memory_space<vmem>>, vector<16xf32>,
      %parallel_loop3A_77 = arith.mulf %parallel_loop3A_73, %parallel_loop3A_76 : vector<16xf32>
      %parallel_loop3A_78 = arith.index_cast %parallel_loop3A_70 : i32 to index
      %parallel_loop3A_79 = arith.constant 16 : index
      %parallel_loop3A_80 = tpu.vector_load %arg10[%parallel_loop3A_78, %parallel_loop3A_79] {strides = array<i32>} : memref<128x128xf32, #tpu.memory_space<vmem>>, vector<16xf32>,
      %parallel_loop3A_81 = arith.index_cast %parallel_loop3A_70 : i32 to index
      %parallel_loop3A_82 = arith.constant 16 : index
      %parallel_loop3A_83 = tpu.vector_load %arg11[%parallel_loop3A_81, %parallel_loop3A_82] {strides = array<i32>} : memref<128x128xf32, #tpu.memory_space<vmem>>, vector<16xf32>,
      %parallel_loop3A_84 = arith.mulf %parallel_loop3A_80, %parallel_loop3A_83 : vector<16xf32>
      %parallel_loop3A_85 = arith.index_cast %parallel_loop3A_70 : i32 to index
      %parallel_loop3A_86 = arith.constant 32 : index
      %parallel_loop3A_87 = tpu.vector_load %arg10[%parallel_loop3A_85, %parallel_loop3A_86] {strides = array<i32>} : memref<128x128xf32, #tpu.memory_space<vmem>>, vector<16xf32>,
      %parallel_loop3A_88 = arith.index_cast %parallel_loop3A_70 : i32 to index
      %parallel_loop3A_89 = arith.constant 32 : index
      %parallel_loop3A_90 = tpu.vector_load %arg11[%parallel_loop3A_88, %parallel_loop3A_89] {strides = array<i32>} : memref<128x128xf32, #tpu.memory_space<vmem>>, vector<16xf32>,
      %parallel_loop3A_91 = arith.mulf %parallel_loop3A_87, %parallel_loop3A_90 : vector<16xf32>
      %parallel_loop3A_92 = arith.addf %parallel_loop3A_77, %parallel_loop3A_91 : vector<16xf32>
      %parallel_loop3A_93 = arith.index_cast %parallel_loop3A_70 : i32 to index
      %parallel_loop3A_94 = arith.constant 48 : index
      %parallel_loop3A_95 = tpu.vector_load %arg10[%parallel_loop3A_93, %parallel_loop3A_94] {strides = array<i32>} : memref<128x128xf32, #tpu.memory_space<vmem>>, vector<16xf32>,
      %parallel_loop3A_96 = arith.index_cast %parallel_loop3A_70 : i32 to index
      %parallel_loop3A_97 = arith.constant 48 : index
      %parallel_loop3A_98 = tpu.vector_load %arg11[%parallel_loop3A_96, %parallel_loop3A_97] {strides = array<i32>} : memref<128x128xf32, #tpu.memory_space<vmem>>, vector<16xf32>,
      %parallel_loop3A_99 = arith.mulf %parallel_loop3A_95, %parallel_loop3A_98 : vector<16xf32>
      %parallel_loop3A_100 = arith.addf %parallel_loop3A_84, %parallel_loop3A_99 : vector<16xf32>
      %parallel_loop3A_101 = arith.index_cast %parallel_loop3A_70 : i32 to index
      %parallel_loop3A_102 = arith.constant 64 : index
      %parallel_loop3A_103 = tpu.vector_load %arg10[%parallel_loop3A_101, %parallel_loop3A_102] {strides = array<i32>} : memref<128x128xf32, #tpu.memory_space<vmem>>, vector<16xf32>,
      %parallel_loop3A_104 = arith.index_cast %parallel_loop3A_70 : i32 to index
      %parallel_loop3A_105 = arith.constant 64 : index
      %parallel_loop3A_106 = tpu.vector_load %arg11[%parallel_loop3A_104, %parallel_loop3A_105] {strides = array<i32>} : memref<128x128xf32, #tpu.memory_space<vmem>>, vector<16xf32>,
      %parallel_loop3A_107 = arith.mulf %parallel_loop3A_103, %parallel_loop3A_106 : vector<16xf32>
      %parallel_loop3A_108 = arith.addf %parallel_loop3A_92, %parallel_loop3A_107 : vector<16xf32>
      %parallel_loop3A_109 = arith.index_cast %parallel_loop3A_70 : i32 to index
      %parallel_loop3A_110 = arith.constant 80 : index
      %parallel_loop3A_111 = tpu.vector_load %arg10[%parallel_loop3A_109, %parallel_loop3A_110] {strides = array<i32>} : memref<128x128xf32, #tpu.memory_space<vmem>>, vector<16xf32>,
      %parallel_loop3A_112 = arith.index_cast %parallel_loop3A_70 : i32 to index
      %parallel_loop3A_113 = arith.constant 80 : index
      %parallel_loop3A_114 = tpu.vector_load %arg11[%parallel_loop3A_112, %parallel_loop3A_113] {strides = array<i32>} : memref<128x128xf32, #tpu.memory_space<vmem>>, vector<16xf32>,
      %parallel_loop3A_115 = arith.mulf %parallel_loop3A_111, %parallel_loop3A_114 : vector<16xf32>
      %parallel_loop3A_116 = arith.addf %parallel_loop3A_100, %parallel_loop3A_115 : vector<16xf32>
      %parallel_loop3A_117 = arith.index_cast %parallel_loop3A_70 : i32 to index
      %parallel_loop3A_118 = arith.constant 96 : index
      %parallel_loop3A_119 = tpu.vector_load %arg10[%parallel_loop3A_117, %parallel_loop3A_118] {strides = array<i32>} : memref<128x128xf32, #tpu.memory_space<vmem>>, vector<16xf32>,
      %parallel_loop3A_120 = arith.index_cast %parallel_loop3A_70 : i32 to index
      %parallel_loop3A_121 = arith.constant 96 : index
      %parallel_loop3A_122 = tpu.vector_load %arg11[%parallel_loop3A_120, %parallel_loop3A_121] {strides = array<i32>} : memref<128x128xf32, #tpu.memory_space<vmem>>, vector<16xf32>,
      %parallel_loop3A_123 = arith.mulf %parallel_loop3A_119, %parallel_loop3A_122 : vector<16xf32>
      %parallel_loop3A_124 = arith.addf %parallel_loop3A_108, %parallel_loop3A_123 : vector<16xf32>
      %parallel_loop3A_125 = arith.index_cast %parallel_loop3A_70 : i32 to index
      %parallel_loop3A_126 = arith.constant 112 : index
      %parallel_loop3A_127 = tpu.vector_load %arg10[%parallel_loop3A_125, %parallel_loop3A_126] {strides = array<i32>} : memref<128x128xf32, #tpu.memory_space<vmem>>, vector<16xf32>,
      %parallel_loop3A_128 = arith.index_cast %parallel_loop3A_70 : i32 to index
      %parallel_loop3A_129 = arith.constant 112 : index
      %parallel_loop3A_130 = tpu.vector_load %arg11[%parallel_loop3A_128, %parallel_loop3A_129] {strides = array<i32>} : memref<128x128xf32, #tpu.memory_space<vmem>>, vector<16xf32>,
      %parallel_loop3A_131 = arith.mulf %parallel_loop3A_127, %parallel_loop3A_130 : vector<16xf32>
      %parallel_loop3A_132 = arith.addf %parallel_loop3A_116, %parallel_loop3A_131 : vector<16xf32>
      %parallel_loop3A_133 = arith.addf %parallel_loop3A_124, %parallel_loop3A_132 : vector<16xf32>
      %parallel_loop3A_134 = arith.addf %parallel_loop3A_133, %mul3A_11 : vector<16xf32>
      %parallel_loop3A_135 = arith.constant true
      %parallel_loop3A_136 = vector.broadcast %parallel_loop3A_135 : i1 to vector<16xi1>
      %parallel_loop3A_137 = tpu.scan <sum>, %parallel_loop3A_134 masked %parallel_loop3A_136 : vector<16xf32>, vector<16xi1> -> vector<16xf32>
      %parallel_loop3A_138 = arith.index_cast %parallel_loop3A_70 : i32 to index
      %parallel_loop3A_139 = tpu.vector_load %arg16[%parallel_loop3A_138] masked %eq3A_8 {strides = array<i32>} : memref<144xf32, #tpu.memory_space<vmem>>, vector<16xf32>, vector<16xi1>
      tpu.vector_store %arg16[%parallel_loop3A_138], %parallel_loop3A_137 masked %eq3A_8 {strides = array<i32>} : memref<144xf32, #tpu.memory_space<vmem>>, vector<16xf32>, vector<16xi1>
    } {sc.loop_unroll_factor = 2 : i64, sc.parallel_access}
    %add3A_68 = arith.constant 9984 : i32
    %add3A_69 = arith.addi %mul3A_2, %add3A_68 : i32
    "tpu.region"() ({
      %run_scoped3A = tpu.sem_alloc : memref<!tpu.dma_semaphore, #tpu.memory_space<semaphore_mem>>
      %dma_start3A_70 = arith.constant 0 : i32
      %dma_start3A_71 = tpu.memref_slice %arg16[%dma_start3A_70] : memref<144xf32, #tpu.memory_space<vmem>> -> memref<16xf32, #tpu.memory_space<vmem>>
      %dma_start3A_72 = tpu.memref_slice %arg7[%add3A_69] : memref<320000xf32, #tpu.memory_space<hbm>> -> memref<16xf32, #tpu.memory_space<hbm>>
      %dma_start3A_73 = tpu.memref_slice %arg7[%add3A_69] : memref<320000xf32, #tpu.memory_space<hbm>> -> memref<16xf32, #tpu.memory_space<hbm>>
      %dma_start3A_74 = arith.constant 0 : i32
      %dma_start3A_75 = tpu.memref_slice %arg16[%dma_start3A_74] : memref<144xf32, #tpu.memory_space<vmem>> -> memref<16xf32, #tpu.memory_space<vmem>>
      tpu.enqueue_dma source(%dma_start3A_75 : memref<16xf32, #tpu.memory_space<vmem>>) target(%dma_start3A_73 : memref<16xf32, #tpu.memory_space<hbm>>) target_semaphore(%run_scoped3A : memref<!tpu.dma_semaphore, #tpu.memory_space<semaphore_mem>>)
      %dma_wait3A_76 = arith.constant 0 : i32
      %dma_wait3A_77 = tpu.memref_slice %arg16[%dma_wait3A_76] : memref<144xf32, #tpu.memory_space<vmem>> -> memref<16xf32, #tpu.memory_space<vmem>>
      %dma_wait3A_78 = tpu.memref_slice %arg7[%add3A_69] : memref<320000xf32, #tpu.memory_space<hbm>> -> memref<16xf32, #tpu.memory_space<hbm>>
      %dma_wait3A_79 = tpu.memref_slice %arg7[%add3A_69] : memref<320000xf32, #tpu.memory_space<hbm>> -> memref<16xf32, #tpu.memory_space<hbm>>
      %dma_wait3A_80 = arith.constant 0 : i32
      %dma_wait3A_81 = tpu.memref_slice %arg16[%dma_wait3A_80] : memref<144xf32, #tpu.memory_space<vmem>> -> memref<16xf32, #tpu.memory_space<vmem>>
      tpu.wait_dma2 semaphore(%run_scoped3A : memref<!tpu.dma_semaphore, #tpu.memory_space<semaphore_mem>>) src(%dma_wait3A_81 : memref<16xf32, #tpu.memory_space<vmem>>) dst(%dma_wait3A_79 : memref<16xf32, #tpu.memory_space<hbm>>)
      tpu.yield
    }) : () -> ()
    return
  }
}

module attributes {stable_mosaic.version = 14 : i64} {
  func.func @_prep_body(%arg0: memref<10000x128xf32, #tpu.memory_space<vmem>>, %arg1: memref<128x128xf32, #tpu.memory_space<vmem>>, %arg2: memref<10000x128xf32, #tpu.memory_space<vmem>>) attributes {dimension_semantics = [], scalar_prefetch = 0 : i64, scratch_operands = 0 : i64, tpu.core_type = #tpu.core_type<tc>} {
    %get3A = arith.constant 0 : index
    %get3A_0 = arith.constant 0 : index
    %get3A_1 = vector.load %arg0[%get3A, %get3A_0] : memref<10000x128xf32, #tpu.memory_space<vmem>>, vector<10000x128xf32>
    %get3A_2 = arith.constant 0 : index
    %get3A_3 = arith.constant 0 : index
    %get3A_4 = vector.load %arg1[%get3A_2, %get3A_3] : memref<128x128xf32, #tpu.memory_space<vmem>>, vector<128x128xf32>
    %dot_general3A = arith.constant dense<0.000000e+00> : vector<10000x128xf32>
    %dot_general3A_5 = tpu.matmul %get3A_1, %get3A_4, %dot_general3A {dimension_numbers = #tpu.dot_dimension_numbers<[1], [0], [0], [1], [0, 0, 1, 1], [], []>, precision = #tpu.contract_precision<fp32>, transpose_lhs_hint = false} : vector<10000x128xf32>, vector<128x128xf32>, vector<10000x128xf32> -> vector<10000x128xf32>
    %mul3A = arith.constant 0.0883883461 : f32
    %mul3A_6 = vector.broadcast %mul3A : f32 to vector<10000x128xf32>
    %mul3A_7 = arith.mulf %dot_general3A_5, %mul3A_6 : vector<10000x128xf32>
    %swap3A = arith.constant 0 : index
    %swap3A_8 = arith.constant 0 : index
    %swap3A_9 = vector.load %arg2[%swap3A, %swap3A_8] : memref<10000x128xf32, #tpu.memory_space<vmem>>, vector<10000x128xf32>
    tpu.vector_store %arg2[%swap3A, %swap3A_8], %mul3A_7 {strides = array<i32>} : memref<10000x128xf32, #tpu.memory_space<vmem>>, vector<10000x128xf32>,
    return
  }
}

</mosaic_0001>

<sc_bundles>
// kernel: kernel.4.cloned.1.call-start
scs
__scs_entry_jumppad:
0x0: {  	(pc) =	sbr.rel $0x88, $3  }
0x1: {  	(tag) =	ssettag $0x0;
	lr =	simm.s32 $0x1  }
0x2: {  	[smem:$0x3F9D] =	sst lr;
	_ =	strace $0xD0000000  }
0x3: {  	_ = 	snop  }
0x4: {  	_ = 	snop  }
0x5: {  	_ = 	snop  }
0x6: {  	_ = 	snop  }
0x7: {  	_ = 	snop  }
__scs_overlays_trampoline_lowered:
0x8: {  	[smem:$0x3FAC] =	sst s0  }
0x9: {  	[smem:$0x3FAD] =	sst s1  }
0xa: {  	[smem:$0x3FAE] =	sst s2  }
0xb: {  	[smem:$0x3FAF] =	sst s3  }
0xc: {  	[smem:$0x3FB0] =	sst s4  }
0xd: {  	[smem:$0x3FB1] =	sst s5  }
0xe: {  	[smem:$0x3FB2] =	sst s6  }
0xf: {  	[smem:$0x3FB3] =	sst s7  }
0x10: {  	[smem:$0x3FB4] =	sst s8  }
0x11: {  	[smem:$0x3FB5] =	sst s9;
	s0 =	simm.s32 @!p0 $0x0  }
0x12: {  	s1 =	sld [smem:$0x3F9B];
	s0 =	simm.s32 @p0 $0x1  }
0x13: {  	[smem:$0x3FB6] =	sst s0;
	s0 =	simm.s32 @!p1 $0x0  }
0x14: {  	s2 =	sld [smem:$0x3F9A];
	s0 =	simm.s32 @p1 $0x1  }
0x15: {  	[smem:$0x3FB7] =	sst s0;
	s0 =	simm.s32 @!p2 $0x0  }
0x16: {  	s3 =	sld [smem:$0x3FDB];
	s0 =	simm.s32 @p2 $0x1  }
0x17: {  	s4 =	simm.s32 $0x1BF5;
	[smem:$0x3FB9] =	sst s0  }
0x18: {  	s0 =	sld [smem:$0x3F9C];
	_ =	swait.ge [sflag:s4], $0x0  }
0x19: {  	s7 =	sld [smem:$0x3F9D]  }
0x1a: {  	s8 =	sadd.s32 $0xFFFFE003, lr  }
0x1b: {  	s9 =	sadd.s32 $0xFFFFFEF7, lr;
	s5 =	simm.s32 $0xFFFFFFFF;
	p2 =	slt.u32 s8, $0xFFFFF086  }
0x1c: {  	p1 =	slt.u32 s9, $0xF7A;
	s5 =	simm.s32 @!p2 $0x0  }
0x1d: {  	s5 =	simm.s32 @p1 $0x1;
	p0 =	seq.s32 s7, s2  }
0x1e: {  	s7 =	smul.u32 @!p0 $0xF7A, s2;
	p2 =	seq.s32 @!p0 s5, $0x0  }
0x1f: {  	s9 =	smul.u32 $0xF7A, s1;
	s8 =	simm.s32 @!p0 $0x1BF5;
	p2 =	por !p2, p0  }
0x20: {  	[sflag:s8] =	ssyncset.s32 @!p0 $0xFFFFF086;
	s6 =	sadd.s32 @!p0 s3, s7;
	s7 =	simm.s32 @!p0 $0x108  }
0x21: {  	s3 =	sadd.s32 s3, s9;
	s6 =	sadd.s32 @!p0 $0x88, s6;
	s7 =	simm.s32 @p2 $0x1082  }
0x22: {  	[simem:s7], [sflag:s8] =	dma.local @!p0 [hbm:s6], $0xF7A  }
0x23: {  	s9 =	sor.u32 $0xD0000000, s2;
	s6 =	simm.s32 $0x108;
	_ =	swait.ge @!p0 [sflag:s8], $0x0  }
0x24: {  	s3 =	sadd.s32 $0x88, s3;
	s6 =	simm.s32 @!p1 $0x1082;
	[sflag:s4] =	ssyncset.s32 $0xFFFFF086  }
0x25: {  	[simem:s6], [sflag:s4] =	dma.local [hbm:s3], $0xF7A  }
0x26: {  	[smem:$0x3F9D] =	sst s1;
	(tag) =	ssettag s2;
	_ =	strace s9  }
0x27: {  	s1 =	sld [smem:$0x3FAD]  }
0x28: {  	s2 =	sld [smem:$0x3FAE]  }
0x29: {  	s4 =	sld [smem:$0x3FB0]  }
0x2a: {  	p0 =	seq.s32 s5, $0x0;
	s5 =	sld [smem:$0x3FB1]  }
0x2b: {  	s6 =	sld [smem:$0x3FB2]  }
0x2c: {  	s7 =	sld [smem:$0x3FB3]  }
0x2d: {  	s3 =	simm.s32 $0x108;
	s8 =	sld [smem:$0x3FB4]  }
0x2e: {  	s3 =	simm.s32 @!p0 $0x1082;
	s9 =	sld [smem:$0x3FB5]  }
0x2f: {  	lr =	sadd.s32 s0, s3;
	s0 =	sld [smem:$0x3FAC]  }
0x30: {  	s3 =	sld [smem:$0x3FAF]  }
0x31: {  	[smem:$0x3FB8] =	sst s10  }
0x32: {  	s10 =	sld [smem:$0x3FB6];
	_ =	sdelay $0x3  }
0x33: {  	p0 =	seq.s32 s10, $0x1;
	s10 =	sld [smem:$0x3FB8];
	_ =	sdelay $0x3  }
0x34: {  	[smem:$0x3FB8] =	sst s10  }
0x35: {  	s10 =	sld [smem:$0x3FB7];
	_ =	sdelay $0x3  }
0x36: {  	p1 =	seq.s32 s10, $0x1;
	s10 =	sld [smem:$0x3FB8];
	_ =	sdelay $0x3  }
0x37: {  	[smem:$0x3FB8] =	sst s10  }
0x38: {  	s10 =	sld [smem:$0x3FB9]  }
0x39: {  	_ = 	snop;
	(pc) =	sbr.ind lr, $3  }
0x3a: {  	_ = 	snop  }
0x3b: {  	_ = 	snop  }
0x3c: {  	p2 =	seq.s32 s10, $0x1;
	s10 =	sld [smem:$0x3FB8]  }
0x3d: {  	_ =	shalt  }
0x3e: {  	_ =	shalt  }
0x3f: {  	_ =	shalt  }
0x40: {  	_ =	shalt  }
0x41: {  	_ =	shalt  }
0x42: {  	_ =	shalt  }
0x43: {  	_ =	shalt  }
0x44: {  	_ =	shalt  }
0x45: {  	_ =	shalt  }
0x46: {  	_ =	shalt  }
0x47: {  	_ =	shalt  }
0x48: {  	_ =	shalt  }
0x49: {  	_ =	shalt  }
0x4a: {  	_ =	shalt  }
0x4b: {  	_ =	shalt  }
0x4c: {  	_ =	shalt  }
0x4d: {  	_ =	shalt  }
0x4e: {  	_ =	shalt  }
0x4f: {  	_ =	shalt  }
0x50: {  	_ =	shalt  }
0x51: {  	_ =	shalt  }
0x52: {  	_ =	shalt  }
0x53: {  	_ =	shalt  }
0x54: {  	_ =	shalt  }
0x55: {  	_ =	shalt  }
0x56: {  	_ =	shalt  }
0x57: {  	_ =	shalt  }
0x58: {  	_ =	shalt  }
0x59: {  	_ =	shalt  }
0x5a: {  	_ =	shalt  }
0x5b: {  	_ =	shalt  }
0x5c: {  	_ =	shalt  }
0x5d: {  	_ =	shalt  }
0x5e: {  	_ =	shalt  }
0x5f: {  	_ =	shalt  }
0x60: {  	_ =	shalt  }
0x61: {  	_ =	shalt  }
0x62: {  	_ =	shalt  }
0x63: {  	_ =	shalt  }
0x64: {  	_ =	shalt  }
0x65: {  	_ =	shalt  }
0x66: {  	_ =	shalt  }
0x67: {  	_ =	shalt  }
0x68: {  	_ =	shalt  }
0x69: {  	_ =	shalt  }
0x6a: {  	_ =	shalt  }
0x6b: {  	_ =	shalt  }
0x6c: {  	_ =	shalt  }
0x6d: {  	_ =	shalt  }
0x6e: {  	_ =	shalt  }
0x6f: {  	_ =	shalt  }
0x70: {  	_ =	shalt  }
0x71: {  	_ =	shalt  }
0x72: {  	_ =	shalt  }
0x73: {  	_ =	shalt  }
0x74: {  	_ =	shalt  }
0x75: {  	_ =	shalt  }
0x76: {  	_ =	shalt  }
0x77: {  	_ =	shalt  }
0x78: {  	_ =	shalt  }
0x79: {  	_ =	shalt  }
0x7a: {  	_ =	shalt  }
0x7b: {  	_ =	shalt  }
0x7c: {  	_ =	shalt  }
0x7d: {  	_ =	shalt  }
0x7e: {  	_ =	shalt  }
0x7f: {  	_ =	shalt  }
0x80: {  	_ =	shalt  }
0x81: {  	_ =	shalt  }
0x82: {  	_ =	shalt  }
0x83: {  	_ =	shalt  }
0x84: {  	_ =	shalt  }
0x85: {  	_ =	shalt  }
0x86: {  	_ =	shalt  }
0x87: {  	_ =	shalt  }
.Lfunc_end0:
.L_simem_size_0:
called_computation_lowered:
.L_overlay_start_0:
0x88: {  	s2 =	sld [smem:$0x3FD9]  }
0x89: {  	s3 =	sld [smem:$0x3FFE];
	_ =	sdelay $0x1  }
0x8a: {  	s1 =	srdreg.scid  }
0x8b: {  	s0 =	sand.u32 $0x1, s1  }
0x8c: {  	s17 =	sshll.u32 s0, $0xA;
	s2 =	sadd.s32 s3, s2  }
0x8d: {  	s2 =	sadd.s32 s2, s17  }
0x8e: {  	[smem:$0x3FC4] =	sst s2  }
0x8f: {  	_ = 	snop  }
0x90: {  	s2 =	sld [smem:$0x3FC9]  }
0x91: {  	s18 =	sld [smem:$0x3FD0];
	(tm) =	ssettm $0x1  }
0x92: {  	s4 =	sld [smem:$0x3FFB];
	_ =	sdelay $0x3  }
0x93: {  	_ =	strace s4  }
0x94: {  	s4 =	sld [smem:$0x3FFC];
	_ =	sdelay $0x3  }
0x95: {  	_ =	strace s4  }
0x96: {  	s4 =	sld [smem:$0x3FFD];
	_ =	sdelay $0x3  }
0x97: {  	_ =	strace s4  }
0x98: {  	_ =	strace $0x8FFFFFFF  }
0x99: {  	s19 =	sld [smem:$0x3FDB];
	_ =	sdelay $0x1  }
0x9a: {  	s5 =	simm.s32 $_scs_section_size  }
0x9b: {  	s6 =	simm.s32 $_size__tile_overlayer_lowered;
	s7 =	simm.s32 $_tile_overlayer_lowered  }
0x9c: {  	s22 =	simm.s32 $0x1BFF;
	s21 =	sshll.u32 s7, $0x1;
	s4 =	sadd.s32 s5, s19  }
0x9d: {  	s8 =	simm.s32 $0x0;
	s20 =	sshll.u32 s6, $0x1;
	s6 =	sadd.s32 s21, s4  }
0x9e: {  	[timem:s8], [sflag:s22] =	dma.local [hbm:s6], s20  }
0x9f: {  	_ =	swait.ge [sflag:s22], s20  }
0xa0: {  	s5 =	ssub.s32 $0x0, s20;
	[sflag:s22] =	ssyncset.done $0x0  }
0xa1: {  	[sflag:s22] =	ssyncadd.s32 s5;
	_ =	sdelay $0x1  }
0xa2: {  	s23 =	simm.s32 $0x1B8B  }
0xa3: {  	_ =	swait.ge [sflag:s23], $0x1  }
0xa4: {  	[sflag:s23] =	ssyncset.done $0x0  }
0xa5: {  	s25 =	simm.s32 $0x1B8E;
	s24 =	sld [smem:$0x3FFE];
	[sflag:s23] =	ssyncadd.s32 $0xFFFFFFFF  }
0xa6: {  	s26 =	simm.s32 $execute0_lowered;
	[smem:$0x3FD2] =	sst s25  }
0xa7: {  	s6 =	sshll.u32 s26, $0x1;
	_ =	strace $0x80000046;
	[dreg:$0x1] =	wrdreg $0xFFFFFFFF  }
0xa8: {  	s28 =	simm.s32 $_size_execute0_lowered;
	s4 =	sadd.s32 s4, s6;
	[dreg:$0x0] =	wrdreg $0x0  }
0xa9: {  	s6 =	sshll.u32 s28, $0x1;
	[dreg:$0x2] =	wrdreg s4  }
0xaa: {  	[dreg:$0x3] =	wrdreg s6  }
0xab: {  	[dreg:$0x4] =	wrdreg $0xC0  }
0xac: {  	_ =	task [dreg:s8], $0x5FFFF  }
0xad: {  	[dreg:$0x1] =	wrdreg $0xFFFFFFFF  }
0xae: {  	[dreg:$0x0] =	wrdreg $0x60  }
0xaf: {  	[dreg:$0x2] =	wrdreg s24  }
0xb0: {  	[dreg:$0x3] =	wrdreg s2  }
0xb1: {  	[dreg:$0x4] =	wrdreg s18  }
0xb2: {  	[dreg:$0x5] =	wrdreg $0x9  }
0xb3: {  	_ =	task.clear_ibuf [dreg:s8], $0x6FFFF;
	_ =	strace $0x90000046  }
0xb4: {  	s29 =	simm.s32 $0x9;
	_ =	strace $0x80000048  }
0xb5: {  	_ =	swait.ge [sflag:s29], $0x1  }
0xb6: {  	[sflag:s29] =	ssyncadd.s32 $0xFFFFFFFF  }
0xb7: {  	_ =	strace $0x90000048  }
0xb8: {  	_ =	sfence  }
0xb9: {  	s30 =	sld [smem:$0x0];
	_ =	sdelay $0x2  }
0xba: {  	s31 =	sshll.u32 s1, $0xD;
	s1 =	sshrl.u32 s1, $0x2  }
0xbb: {  	s3 =	sand.u32 $0x4000, s31;
	s1 =	sadd.s32 s1, s30  }
0xbc: {  	s0 =	sor.u32 s3, s0;
	s1 =	sshll.u32 s1, $0x11  }
0xbd: {  	s0 =	sor.u32 s1, s0  }
0xbe: {  	s0 =	sadd.s32 $0x8F2B, s0  }
0xbf: {  	[sflag:s0] =	ssyncadd.remote.s32 $0x1  }
0xc0: {  	_ =	sfence.sel $0xFFFF  }
0xc1: {  	[dreg:$0x0] =	wrdreg $0xFFFFFFFF;
	(pc) =	sbr.abs _section_cstart, $3  }
0xc2: {  	[dreg:$0x1] =	wrdreg $0xFFFFFFFF  }
0xc3: {  	_ =	task.clear_ibuf [dreg:s8], $0x2FFFF;
	_ =	strace $0x9FFFFFFF  }
0xc4: {  	(tm) =	ssettm $0x7FFFFFFF  }
0xc5: {  	_ =	shalt  }
tec
execute0_lowered:
.L_overlay_start_1:
0x0: {  	(tag) =	ssettag $0x1  }
0x1: {  	s0 =	rddreg [dreg:$0x0]  }
0x2: {  	s2 =	rddreg [dreg:$0x1];
	s1 =	srdreg.scid  }
0x3: {  	s4 =	stileid.u32;
	s3 =	rddreg [dreg:$0x2]  }
0x4: {  	s13 =	simm.s32 $0x7;
	s16 =	simm.s32 $0x80;
	s18 =	simm.s32 $0x4F00  }
0x5: {  	s19 =	simm.s32 $0x8F00;
	s22 =	simm.s32 $0x1;
	s23 =	simm.s32 $0x2  }
0x6: {  	s28 =	simm.s32 $0x3;
	s29 =	simm.s32 $0x4;
	s30 =	simm.s32 $0x1D000  }
0x7: {  	s31 =	simm.s32 $0x5;
	s15 =	simm.s32 $0x10;
	s21 =	simm.s32 $0x0  }
0x8: {  	s1 =	sand.u32 $0x1, s1;
	s5 =	sshll.u32 s4, $0x1;
	s4 =	simm.s32 $0x0  }
0x9: {  	s6 =	sadd.s32 $0x13E00, s0;
	s5 =	sor.u32 s1, s5;
	s1 =	ssub.s32 $0x2, s1  }
0xa: {  	[smem:$0x7FF] =	sst s4;
	s5 =	smul.u32 $0x2710, s5;
	s8 =	sshrl.u32 s1, $0x1  }
0xb: {  	_ =	strace $0x80000047;
	s24 =	ssub.s32 s1, s8;
	s1 =	simm.s32 $0x6  }
0xc: {  	s7 =	sshrl.u32 s5, $0x3;
	s10 =	sadd.s32 $0x80, s5;
	s12 =	smax.u32 s24, $0x1  }
0xd: {  	s24 =	simm.s32 $0x14F00;
	s9 =	sadd.s32 s7, s0;
	s0 =	sadd.s32 $0x3B000, s0  }
0xe: {  	s26 =	sadd.s32 s3, s7;
	[dreg:$0x4] =	wrdreg s0;
	s25 =	sadd.s32 $0xA000, s9  }
0xf: {  	s9 =	sadd.s32 $0x200, s9;
	s11 =	sadd.s32 $0x4E0, s26;
	s26 =	simm.s32 $0x1CF00  }
0x10: {  	vm0 =	vcmask $0x3F3C;
	s0 =	simm.s32 $0x1D100;
	[dreg:$0x5] =	wrdreg s25;
	s25 =	simm.s32 $0x18F00  }
.LBB2_1:
0x11: {  	s7 =	rddreg [dreg:$0x5]  }
0x12: {  	[tilespmem:s4], [sflag:$0x7] =	stream.linear.gather [hbm4b:s7+s4], $0x2710, $0x38;
	[tilespmem:$0x1D280] =	vst v63  }
0x13: {  	_ =	swait.ge [sflag:s13], $0x2710  }
0x14: {  	[sflag:s13] =	ssyncset.done $0x0  }
0x15: {  	s8 =	simm.s32 $0x2780;
	[sflag:s13] =	ssyncadd.s32 $0xFFFFD8F0  }
0x16: {  	[tilespmem:s8], [sflag:$0x7] =	stream.linear.gather [hbm4b:s9+s4], $0x2710, $0x38;
	[tilespmem:$0x1D280] =	vst v63  }
0x17: {  	_ =	swait.ge [sflag:s13], $0x2710  }
0x18: {  	[sflag:s13] =	ssyncset.done $0x0  }
0x19: {  	s14 =	simm.s32 $0x1D200;
	s17 =	rddreg [dreg:$0x4];
	[sflag:s13] =	ssyncadd.s32 $0xFFFFD8F0  }
0x1a: {  	[tilespmem:s14], [sflag:$0x7] =	stream.linear.gather [hbm4b:s17+s4], $0x80, $0x38;
	[tilespmem:$0x1D280] =	vst v63  }
0x1b: {  	_ =	swait.ge [sflag:s13], $0x80  }
0x1c: {  	[sflag:s13] =	ssyncset.done $0x0  }
0x1d: {  	[sflag:s13] =	ssyncadd.s32 $0xFFFFFF80  }
0x1e: {  	v0 =	vld [tilespmem:$0x1D200];
	[tilespmem:s18], [sflag:$0x1] =	stream.indirect.gather [hbm4b:s6+s16], $0x80, s4, s16, $0xb8  }
0x1f: {  	_ = 	snop  }
0x20: {  	[tilespmem:s19], [sflag:$0x2] =	stream.indirect.gather [hbm4b:s2+s16], $0x80, s8, s16, $0xb8;
	[tilespmem:$0x1D280] =	vst v63  }
0x21: {  	s18 =	simm.s32 $0xCF00  }
0x22: {  	[tilespmem:s18], [sflag:$0x3] =	stream.indirect.gather [hbm4b:s6+s16], $0x80, s16, s16, $0xb8;
	[tilespmem:$0x1D280] =	vst v63  }
0x23: {  	s20 =	simm.s32 $0x10F00;
	s19 =	simm.s32 $0x2800;
	v0 =	vmul.f32 $8.838834610e-02, v0  }
0x24: {  	[tilespmem:s20], [sflag:$0x4] =	stream.indirect.gather [hbm4b:s2+s16], $0x80, s19, s16, $0xb8;
	[tilespmem:$0x1D280] =	vst v63  }
0x25: {  	s19 =	simm.s32 $0x0;
	v0 =	vmul.f32 $6.250000000e-02, v0  }
.LBB2_2:
0x26: {  	_ =	swait.ge [sflag:s22], $0x4000  }
0x27: {  	[sflag:s22] =	ssyncset.done $0x0  }
0x28: {  	[sflag:s22] =	ssyncadd.s32 $0xFFFFC000  }
0x29: {  	s14 =	smul.u32 $0x180, s19;
	_ =	swait.ge [sflag:s23], $0x4000  }
0x2a: {  	[sflag:s23] =	ssyncset.done $0x0  }
0x2b: {  	s20 =	sadd.s32 $0x100, s14;
	[sflag:s23] =	ssyncadd.s32 $0xFFFFC000  }
0x2c: {  	[tilespmem:s24], [sflag:$0x5] =	stream.indirect.gather [hbm4b:s6+s16], $0x80, s20, s16, $0xb8;
	[tilespmem:$0x1D280] =	vst v63  }
0x2d: {  	s18 =	simm.s32 $0x4F80;
	s7 =	sadd.s32 $0x2880, s14  }
0x2e: {  	[tilespmem:s25], [sflag:$0x6] =	stream.indirect.gather [hbm4b:s2+s16], $0x80, s7, s16, $0xb8;
	[tilespmem:$0x1D280] =	vst v63  }
0x2f: {  	s8 =	simm.s32 $0x8F80;
	v1 =	vld [tilespmem:s18+$0x60]  }
0x30: {  	v2 =	vld [tilespmem:s8+$0x60]  }
0x31: {  	v3 =	vld [tilespmem:s18+$0x40]  }
0x32: {  	v4 =	vld [tilespmem:s8+$0x40]  }
0x33: {  	v5 =	vld [tilespmem:s18+$0x0]  }
0x34: {  	v6 =	vld [tilespmem:s8+$0x0]  }
0x35: {  	v7 =	vld [tilespmem:s18+$0x10]  }
0x36: {  	v8 =	vld [tilespmem:s8+$0x10]  }
0x37: {  	v9 =	vld [tilespmem:s18+$0x20]  }
0x38: {  	v10 =	vld [tilespmem:s8+$0x20]  }
0x39: {  	v11 =	vld [tilespmem:s18+$0x30]  }
0x3a: {  	v12 =	vld [tilespmem:s8+$0x30]  }
0x3b: {  	v13 =	vld [tilespmem:s18+$0x50]  }
0x3c: {  	v14 =	vld [tilespmem:s8+$0x50]  }
0x3d: {  	v15 =	vld [tilespmem:s18+$0x70]  }
0x3e: {  	v16 =	vld [tilespmem:s8+$0x70]  }
0x3f: {  	v17 =	vld [tilespmem:s8+$0xFFFFFF80]  }
0x40: {  	v18 =	vld [tilespmem:s18+$0xFFFFFF90]  }
0x41: {  	v19 =	vld [tilespmem:s8+$0xFFFFFF90]  }
0x42: {  	v20 =	vld [tilespmem:s18+$0xFFFFFFA0]  }
0x43: {  	v21 =	vld [tilespmem:s8+$0xFFFFFFA0]  }
0x44: {  	v22 =	vld [tilespmem:s18+$0xFFFFFFB0]  }
0x45: {  	v23 =	vld [tilespmem:s8+$0xFFFFFFB0]  }
0x46: {  	v24 =	vld [tilespmem:s18+$0xFFFFFF80]  }
0x47: {  	v25 =	vld [tilespmem:s18+$0xFFFFFFC0]  }
0x48: {  	v26 =	vld [tilespmem:s8+$0xFFFFFFC0]  }
0x49: {  	v27 =	vld [tilespmem:s18+$0xFFFFFFD0]  }
0x4a: {  	v28 =	vld [tilespmem:s8+$0xFFFFFFD0]  }
0x4b: {  	v29 =	vld [tilespmem:s18+$0xFFFFFFE0]  }
0x4c: {  	v30 =	vld [tilespmem:s8+$0xFFFFFFE0]  }
0x4d: {  	v31 =	vld [tilespmem:s18+$0xFFFFFFF0]  }
0x4e: {  	s17 =	simm.s32 $0x9080;
	v32 =	vld [tilespmem:s8+$0xFFFFFFF0]  }
0x4f: {  	v34 =	vld [tilespmem:s17+$0x60];
	v5 =	vmul.f32 v6, v5;
	v6 =	vmul.f32 v8, v7  }
0x50: {  	v54 =	vld [tilespmem:s17+$0x10];
	v8 =	vmul.f32 v10, v9;
	v9 =	vmul.f32 v12, v11  }
0x51: {  	v56 =	vld [tilespmem:s17+$0x20];
	v3 =	vmul.f32 v4, v3;
	v4 =	vmul.f32 v14, v13  }
0x52: {  	s8 =	simm.s32 $0x5080;
	v58 =	vld [tilespmem:s17+$0x30];
	v51 =	vmul.f32 v17, v24;
	v5 =	vadd.f32 v8, v5;
	v8 =	vmul.f32 v21, v20  }
0x53: {  	v35 =	vld [tilespmem:s8+$0x40];
	v53 =	vmul.f32 v23, v22;
	v6 =	vadd.f32 v9, v6;
	v9 =	vmul.f32 v19, v18  }
0x54: {  	v52 =	vld [tilespmem:s8+$0x10];
	v1 =	vmul.f32 v2, v1;
	v2 =	vadd.f32 v8, v51;
	v8 =	vmul.f32 v26, v25  }
0x55: {  	v55 =	vld [tilespmem:s8+$0x20];
	v3 =	vadd.f32 v3, v5;
	v5 =	vadd.f32 v53, v9;
	v9 =	vmul.f32 v28, v27  }
0x56: {  	v7 =	vld [tilespmem:s17+$0x40];
	v57 =	vmul.f32 v32, v31;
	v4 =	vadd.f32 v4, v6;
	v6 =	vmul.f32 v16, v15  }
0x57: {  	v10 =	vld [tilespmem:s8+$0x0];
	v2 =	vadd.f32 v8, v2;
	v5 =	vadd.f32 v9, v5;
	v9 =	vmul.f32 v30, v29  }
0x58: {  	v11 =	vld [tilespmem:s17+$0x0];
	v1 =	vadd.f32 v1, v3;
	v3 =	vadd.f32 v6, v4  }
0x59: {  	v8 =	vld [tilespmem:s8+$0x30];
	v2 =	vadd.f32 v9, v2;
	v5 =	vadd.f32 v57, v5  }
0x5a: {  	v4 =	vld [tilespmem:s8+$0x50];
	v1 =	vadd.f32 v3, v1  }
0x5b: {  	v6 =	vld [tilespmem:s17+$0x50];
	v2 =	vadd.f32 v5, v2  }
0x5c: {  	v3 =	vld [tilespmem:s8+$0x70];
	v1 =	vadd.f32 v1, v0  }
0x5d: {  	v5 =	vld [tilespmem:s17+$0x70];
	v2 =	vadd.f32 v2, v0  }
0x5e: {  	v33 =	vld [tilespmem:s8+$0x60];
	v8 =	vmul.f32 v58, v8;
	(xrf2) =	vadd.scan.msk.f32 $0xffff, v1;
	v1 =	vmul.f32 v11, v10  }
0x5f: {  	v61 =	vld [tilespmem:s17+$0xFFFFFFA0];
	v10 =	vmul.f32 v54, v52;
	(xrf2) =	vadd.scan.msk.f32 $0xffff, v2;
	v2 =	vmul.f32 v56, v55  }
0x60: {  	v62 =	vld [tilespmem:s17+$0xFFFFFFC0];
	v7 =	vmul.f32 v7, v35  }
0x61: {  	v59 =	vld [tilespmem:s8+$0xFFFFFF90];
	v4 =	vmul.f32 v6, v4;
	v1 =	vadd.f32 v2, v1;
	v2 =	vadd.f32 v8, v10  }
0x62: {  	v60 =	vld [tilespmem:s8+$0xFFFFFFA0];
	v3 =	vmul.f32 v5, v3  }
0x63: {  	v9 =	vld [tilespmem:s17+$0xFFFFFF80];
	v8 =	vmul.f32 v34, v33;
	v1 =	vadd.f32 v7, v1;
	v2 =	vadd.f32 v4, v2  }
0x64: {  	v6 =	vld [tilespmem:s8+$0xFFFFFFB0]  }
0x65: {  	v11 =	vld [tilespmem:s17+$0xFFFFFF90];
	v5 =	vadd.f32 v8, v1;
	v2 =	vadd.f32 v3, v2  }
0x66: {  	v4 =	vld [tilespmem:s8+$0xFFFFFF80]  }
0x67: {  	v10 =	vld [tilespmem:s17+$0xFFFFFFB0];
	v5 =	vadd.f32 v2, v5  }
0x68: {  	v7 =	vld [tilespmem:s8+$0xFFFFFFC0]  }
0x69: {  	v1 =	vld [tilespmem:s8+$0xFFFFFFD0];
	v63 =	vadd.f32 v5, v0  }
0x6a: {  	v3 =	vld [tilespmem:s17+$0xFFFFFFD0]  }
0x6b: {  	s18 =	simm.s32 $0x1CF01;
	v12 =	vmul.f32 v61, v60;
	v8, _, _ =	vpop (xrf2);
	v2 =	vld [tilespmem:s8+$0xFFFFFFE0];
	v9 =	vmul.f32 v9, v4;
	(xrf2) =	vadd.scan.msk.f32 $0xffff, v63  }
0x6c: {  	v11 =	vmul.f32 v11, v59;
	v6 =	vmul.f32 v10, v6;
	[tilespmem:s18+$0x0] =	vst.msk vm0, v8;
	v8, _, _ =	vpop (xrf2);
	v5 =	vld [tilespmem:s17+$0xFFFFFFE0]  }
0x6d: {  	v4 =	vld [tilespmem:s8+$0xFFFFFFF0];
	[tilespmem:s18+$0xFFFFFFFF] =	vst.msk vm0, v8;
	v8 =	vadd.f32 v12, v9;
	v9 =	vmul.f32 v62, v7  }
0x6e: {  	s7 =	simm.s32 $0x2;
	v6 =	vadd.f32 v6, v11;
	s8 =	simm.s32 $0x5180;
	v7 =	vld [tilespmem:s17+$0xFFFFFFF0]  }
.LBB2_3:
0x6f: {  	v10 =	vld [tilespmem:s8+$0x60];
	v8 =	vadd.f32 v9, v8;
	v1 =	vmul.f32 v3, v1;
	s17 =	sadd.s32 $0x100, s17  }
0x70: {  	v3 =	vld [tilespmem:s17+$0x60]  }
0x71: {  	v9 =	vld [tilespmem:s8+$0x40];
	v1 =	vadd.f32 v1, v6;
	v2 =	vmul.f32 v5, v2  }
0x72: {  	v5 =	vld [tilespmem:s17+$0x40]  }
0x73: {  	v6 =	vld [tilespmem:s8+$0x0];
	v2 =	vadd.f32 v2, v8;
	v11 =	vmul.f32 v7, v4  }
0x74: {  	v7 =	vld [tilespmem:s17+$0x0]  }
0x75: {  	s18 =	sadd.s32 $0x2, s18;
	v8 =	vld [tilespmem:s8+$0x10];
	v1 =	vadd.f32 v11, v1;
	v4, _, _ =	vpop (xrf2)  }
0x76: {  	v11 =	vld [tilespmem:s17+$0x10];
	[tilespmem:s18+$0x0] =	vst.msk vm0, v4  }
0x77: {  	v4 =	vld [tilespmem:s8+$0x20];
	v1 =	vadd.f32 v1, v2  }
0x78: {  	v2 =	vld [tilespmem:s17+$0x20]  }
0x79: {  	v12 =	vld [tilespmem:s8+$0x30];
	v1 =	vadd.f32 v1, v0  }
0x7a: {  	s7 =	sadd.s32 $0x2, s7;
	v13 =	vld [tilespmem:s17+$0x30]  }
0x7b: {  	p0 =	slt.u32 s7, $0x7E;
	v14 =	vld [tilespmem:s8+$0x50];
	(xrf2) =	vadd.scan.msk.f32 $0xffff, v1  }
0x7c: {  	v1 =	vld [tilespmem:s17+$0x50]  }
0x7d: {  	v15 =	vld [tilespmem:s8+$0x70]  }
0x7e: {  	v6 =	vmul.f32 v7, v6;
	v7 =	vmul.f32 v11, v8;
	v8 =	vld [tilespmem:s17+$0x70]  }
0x7f: {  	v2 =	vmul.f32 v2, v4;
	v11 =	vld [tilespmem:s17+$0xFFFFFF80];
	v4 =	vmul.f32 v13, v12  }
0x80: {  	v5 =	vmul.f32 v5, v9;
	v12 =	vld [tilespmem:s8+$0xFFFFFF90]  }
0x81: {  	v2 =	vadd.f32 v2, v6;
	v9 =	vld [tilespmem:s17+$0xFFFFFF90];
	v4 =	vadd.f32 v4, v7;
	v1 =	vmul.f32 v1, v14  }
0x82: {  	v10 =	vmul.f32 v3, v10;
	v6 =	vld [tilespmem:s8+$0xFFFFFFA0]  }
0x83: {  	v2 =	vadd.f32 v5, v2;
	v7 =	vld [tilespmem:s17+$0xFFFFFFA0];
	v1 =	vadd.f32 v1, v4;
	v4 =	vmul.f32 v8, v15  }
0x84: {  	v5 =	vld [tilespmem:s8+$0xFFFFFFB0]  }
0x85: {  	v2 =	vadd.f32 v10, v2;
	v8 =	vld [tilespmem:s17+$0xFFFFFFB0];
	v1 =	vadd.f32 v4, v1;
	v3, _, _ =	vpop (xrf2)  }
0x86: {  	v4 =	vld [tilespmem:s8+$0xFFFFFF80];
	v9 =	vmul.f32 v9, v12;
	[tilespmem:s18+$0xFFFFFFFF] =	vst.msk vm0, v3  }
0x87: {  	v10 =	vld [tilespmem:s8+$0xFFFFFFC0];
	v2 =	vadd.f32 v1, v2  }
0x88: {  	v7 =	vmul.f32 v7, v6;
	v12 =	vld [tilespmem:s17+$0xFFFFFFC0]  }
0x89: {  	v1 =	vld [tilespmem:s8+$0xFFFFFFD0];
	v6 =	vadd.f32 v2, v0  }
.Ltmp0:
0x8a: {  	v5 =	vmul.f32 v8, v5;
	v3 =	vld [tilespmem:s17+$0xFFFFFFD0];
	(pc) =	sbr.rel @p0 .LBB2_3-.Ltmp0, $4  }
0x8b: {  	v4 =	vmul.f32 v11, v4;
	v2 =	vld [tilespmem:s8+$0xFFFFFFE0];
	(xrf2) =	vadd.scan.msk.f32 $0xffff, v6  }
0x8c: {  	v6 =	vadd.f32 v5, v9;
	v5 =	vld [tilespmem:s17+$0xFFFFFFE0]  }
0x8d: {  	v8 =	vadd.f32 v7, v4;
	v9 =	vmul.f32 v12, v10;
	v4 =	vld [tilespmem:s8+$0xFFFFFFF0]  }
0x8e: {  	s8 =	sadd.s32 $0x100, s8;
	v7 =	vld [tilespmem:s17+$0xFFFFFFF0]  }
0x8f: {  	_ =	sdelay $0x1  }
0x90: {  	v1 =	vmul.f32 v3, v1  }
0x91: {  	v3 =	vadd.f32 v9, v8  }
0x92: {  	v1 =	vadd.f32 v1, v6;
	v2 =	vmul.f32 v5, v2;
	v4 =	vmul.f32 v7, v4;
	_ =	sdelay $0x1  }
0x93: {  	v2 =	vadd.f32 v2, v3;
	v1 =	vadd.f32 v4, v1;
	_ =	sdelay $0x1  }
0x94: {  	v1 =	vadd.f32 v1, v2;
	_ =	sdelay $0x1  }
0x95: {  	v1 =	vadd.f32 v1, v0;
	_ =	sdelay $0x1  }
0x96: {  	(xrf2) =	vadd.scan.msk.f32 $0xffff, v1;
	_ =	sdelay $0x8  }
0x97: {  	s7 =	sadd.s32 $0x2, s18;
	s8 =	sadd.s32 s5, s14;
	v1, _, _ =	vpop (xrf2)  }
0x98: {  	s8 =	sshrl.u32 s8, $0x3;
	[tilespmem:s7+$0x0] =	vst.msk vm0, v1;
	v1, _, _ =	vpop (xrf2)  }
0x99: {  	s8 =	sadd.s32 s3, s8;
	[tilespmem:s7+$0xFFFFFFFF] =	vst.msk vm0, v1  }
0x9a: {  	[hbm4b:s8+s4] =	stream.linear.scatter [tilespmem:s26], [sflag:$0x7], $0x80, $0x38;
	[tilespmem:$0x1D280] =	vst v63  }
0x9b: {  	_ =	swait.ge [sflag:s13], $0x80  }
0x9c: {  	[sflag:s13] =	ssyncset.done $0x0  }
0x9d: {  	[sflag:s13] =	ssyncadd.s32 $0xFFFFFF80  }
0x9e: {  	_ =	swait.ge [sflag:s28], $0x4000  }
0x9f: {  	[sflag:s28] =	ssyncset.done $0x0  }
0xa0: {  	[sflag:s28] =	ssyncadd.s32 $0xFFFFC000  }
0xa1: {  	p0 =	seq.s32 s19, $0x19;
	_ =	swait.ge [sflag:s29], $0x4000  }
0xa2: {  	s17 =	simm.s32 @!p0 $0x4F00;
	[sflag:s29] =	ssyncset.done $0x0  }
0xa3: {  	s7 =	sadd.s32 @!p0 $0x180, s14;
	s8 =	simm.s32 @!p0 $0x80;
	[sflag:s29] =	ssyncadd.s32 $0xFFFFC000  }
0xa4: {  	[tilespmem:s17], [sflag:$0x1] =	stream.indirect.gather @!p0 [hbm4b:s6+s8], $0x80, s7, s8, $0xb8;
	[tilespmem:$0x1D280] =	vst v63  }
0xa5: {  	s7 =	sadd.s32 @!p0 $0x2900, s14;
	s17 =	simm.s32 @!p0 $0x8F00  }
0xa6: {  	[tilespmem:s17], [sflag:$0x2] =	stream.indirect.gather @!p0 [hbm4b:s2+s8], $0x80, s7, s8, $0xb8;
	[tilespmem:$0x1D280] =	vst v63  }
0xa7: {  	s17 =	simm.s32 $0xCF80  }
0xa8: {  	s18 =	simm.s32 $0x10F80;
	v1 =	vld [tilespmem:s17+$0x60]  }
0xa9: {  	v2 =	vld [tilespmem:s18+$0x60]  }
0xaa: {  	v3 =	vld [tilespmem:s17+$0x40]  }
0xab: {  	v4 =	vld [tilespmem:s18+$0x40]  }
0xac: {  	v5 =	vld [tilespmem:s17+$0x0]  }
0xad: {  	v6 =	vld [tilespmem:s18+$0x0]  }
0xae: {  	v7 =	vld [tilespmem:s17+$0x10]  }
0xaf: {  	v8 =	vld [tilespmem:s18+$0x10]  }
0xb0: {  	v9 =	vld [tilespmem:s17+$0x20]  }
0xb1: {  	v10 =	vld [tilespmem:s18+$0x20]  }
0xb2: {  	v11 =	vld [tilespmem:s17+$0x30]  }
0xb3: {  	v12 =	vld [tilespmem:s18+$0x30]  }
0xb4: {  	v13 =	vld [tilespmem:s17+$0x50]  }
0xb5: {  	v14 =	vld [tilespmem:s18+$0x50]  }
0xb6: {  	v15 =	vld [tilespmem:s17+$0x70]  }
0xb7: {  	v16 =	vld [tilespmem:s18+$0x70]  }
0xb8: {  	v17 =	vld [tilespmem:s18+$0xFFFFFF80]  }
0xb9: {  	v18 =	vld [tilespmem:s17+$0xFFFFFF90]  }
0xba: {  	v19 =	vld [tilespmem:s18+$0xFFFFFF90]  }
0xbb: {  	v20 =	vld [tilespmem:s17+$0xFFFFFFA0]  }
0xbc: {  	v21 =	vld [tilespmem:s18+$0xFFFFFFA0]  }
0xbd: {  	v22 =	vld [tilespmem:s17+$0xFFFFFFB0]  }
0xbe: {  	v23 =	vld [tilespmem:s18+$0xFFFFFFB0]  }
0xbf: {  	v24 =	vld [tilespmem:s17+$0xFFFFFF80]  }
0xc0: {  	v25 =	vld [tilespmem:s17+$0xFFFFFFC0]  }
0xc1: {  	v26 =	vld [tilespmem:s18+$0xFFFFFFC0]  }
0xc2: {  	v27 =	vld [tilespmem:s17+$0xFFFFFFD0]  }
0xc3: {  	v28 =	vld [tilespmem:s18+$0xFFFFFFD0]  }
0xc4: {  	v29 =	vld [tilespmem:s17+$0xFFFFFFE0]  }
0xc5: {  	v30 =	vld [tilespmem:s18+$0xFFFFFFE0]  }
0xc6: {  	v31 =	vld [tilespmem:s17+$0xFFFFFFF0]  }
0xc7: {  	s8 =	simm.s32 $0xD080;
	v32 =	vld [tilespmem:s18+$0xFFFFFFF0]  }
0xc8: {  	v33 =	vld [tilespmem:s8+$0x60];
	v5 =	vmul.f32 v6, v5;
	v6 =	vmul.f32 v8, v7  }
0xc9: {  	v35 =	vld [tilespmem:s8+$0x40];
	v8 =	vmul.f32 v10, v9;
	v9 =	vmul.f32 v12, v11  }
0xca: {  	v52 =	vld [tilespmem:s8+$0x10];
	v3 =	vmul.f32 v4, v3;
	v4 =	vmul.f32 v14, v13  }
0xcb: {  	s17 =	simm.s32 $0x11080;
	v55 =	vld [tilespmem:s8+$0x20];
	v51 =	vmul.f32 v17, v24;
	v5 =	vadd.f32 v8, v5;
	v8 =	vmul.f32 v21, v20  }
0xcc: {  	v54 =	vld [tilespmem:s17+$0x10];
	v53 =	vmul.f32 v23, v22;
	v6 =	vadd.f32 v9, v6;
	v9 =	vmul.f32 v19, v18  }
0xcd: {  	v56 =	vld [tilespmem:s17+$0x20];
	v1 =	vmul.f32 v2, v1;
	v2 =	vadd.f32 v8, v51;
	v8 =	vmul.f32 v26, v25  }
0xce: {  	v58 =	vld [tilespmem:s17+$0x30];
	v3 =	vadd.f32 v3, v5;
	v5 =	vadd.f32 v53, v9;
	v9 =	vmul.f32 v28, v27  }
0xcf: {  	v7 =	vld [tilespmem:s17+$0x40];
	v57 =	vmul.f32 v32, v31;
	v4 =	vadd.f32 v4, v6;
	v6 =	vmul.f32 v16, v15  }
0xd0: {  	v10 =	vld [tilespmem:s8+$0x0];
	v2 =	vadd.f32 v8, v2;
	v5 =	vadd.f32 v9, v5;
	v9 =	vmul.f32 v30, v29  }
0xd1: {  	v11 =	vld [tilespmem:s17+$0x0];
	v1 =	vadd.f32 v1, v3;
	v3 =	vadd.f32 v6, v4  }
0xd2: {  	v8 =	vld [tilespmem:s8+$0x30];
	v2 =	vadd.f32 v9, v2;
	v5 =	vadd.f32 v57, v5  }
0xd3: {  	v4 =	vld [tilespmem:s8+$0x50];
	v1 =	vadd.f32 v3, v1  }
0xd4: {  	v6 =	vld [tilespmem:s17+$0x50];
	v2 =	vadd.f32 v5, v2  }
0xd5: {  	v3 =	vld [tilespmem:s8+$0x70];
	v1 =	vadd.f32 v1, v0  }
0xd6: {  	v5 =	vld [tilespmem:s17+$0x70];
	v2 =	vadd.f32 v2, v0  }
0xd7: {  	v34 =	vld [tilespmem:s17+$0x60];
	v8 =	vmul.f32 v58, v8;
	(xrf2) =	vadd.scan.msk.f32 $0xffff, v1;
	v1 =	vmul.f32 v11, v10  }
0xd8: {  	v59 =	vld [tilespmem:s8+$0xFFFFFF90];
	v10 =	vmul.f32 v54, v52;
	(xrf2) =	vadd.scan.msk.f32 $0xffff, v2;
	v2 =	vmul.f32 v56, v55  }
0xd9: {  	v60 =	vld [tilespmem:s8+$0xFFFFFFA0];
	v7 =	vmul.f32 v7, v35  }
0xda: {  	v61 =	vld [tilespmem:s17+$0xFFFFFFA0];
	v4 =	vmul.f32 v6, v4;
	v1 =	vadd.f32 v2, v1;
	v2 =	vadd.f32 v8, v10  }
0xdb: {  	v62 =	vld [tilespmem:s17+$0xFFFFFFC0];
	v3 =	vmul.f32 v5, v3  }
0xdc: {  	v9 =	vld [tilespmem:s17+$0xFFFFFF80];
	v8 =	vmul.f32 v34, v33;
	v1 =	vadd.f32 v7, v1;
	v2 =	vadd.f32 v4, v2  }
0xdd: {  	v6 =	vld [tilespmem:s8+$0xFFFFFFB0]  }
0xde: {  	v11 =	vld [tilespmem:s17+$0xFFFFFF90];
	v5 =	vadd.f32 v8, v1;
	v2 =	vadd.f32 v3, v2  }
0xdf: {  	v4 =	vld [tilespmem:s8+$0xFFFFFF80]  }
0xe0: {  	v10 =	vld [tilespmem:s17+$0xFFFFFFB0];
	v5 =	vadd.f32 v2, v5  }
0xe1: {  	v7 =	vld [tilespmem:s8+$0xFFFFFFC0]  }
0xe2: {  	v1 =	vld [tilespmem:s8+$0xFFFFFFD0];
	v63 =	vadd.f32 v5, v0  }
0xe3: {  	v3 =	vld [tilespmem:s17+$0xFFFFFFD0]  }
0xe4: {  	s18 =	simm.s32 $0x1D001;
	v12 =	vmul.f32 v61, v60;
	v8, _, _ =	vpop (xrf2);
	v2 =	vld [tilespmem:s8+$0xFFFFFFE0];
	v9 =	vmul.f32 v9, v4;
	(xrf2) =	vadd.scan.msk.f32 $0xffff, v63  }
0xe5: {  	v11 =	vmul.f32 v11, v59;
	v6 =	vmul.f32 v10, v6;
	[tilespmem:s18+$0x0] =	vst.msk vm0, v8;
	v8, _, _ =	vpop (xrf2);
	v5 =	vld [tilespmem:s17+$0xFFFFFFE0]  }
0xe6: {  	v4 =	vld [tilespmem:s8+$0xFFFFFFF0];
	[tilespmem:s18+$0xFFFFFFFF] =	vst.msk vm0, v8;
	v8 =	vadd.f32 v12, v9;
	v9 =	vmul.f32 v62, v7  }
0xe7: {  	s7 =	simm.s32 $0x2;
	v6 =	vadd.f32 v6, v11;
	s8 =	simm.s32 $0xD180;
	v7 =	vld [tilespmem:s17+$0xFFFFFFF0]  }
.LBB2_5:
0xe8: {  	v10 =	vld [tilespmem:s8+$0x60];
	v8 =	vadd.f32 v9, v8;
	v1 =	vmul.f32 v3, v1;
	s17 =	sadd.s32 $0x100, s17  }
0xe9: {  	v3 =	vld [tilespmem:s17+$0x60]  }
0xea: {  	v9 =	vld [tilespmem:s8+$0x40];
	v1 =	vadd.f32 v1, v6;
	v2 =	vmul.f32 v5, v2  }
0xeb: {  	v5 =	vld [tilespmem:s17+$0x40]  }
0xec: {  	v6 =	vld [tilespmem:s8+$0x0];
	v2 =	vadd.f32 v2, v8;
	v11 =	vmul.f32 v7, v4  }
0xed: {  	v7 =	vld [tilespmem:s17+$0x0]  }
0xee: {  	s18 =	sadd.s32 $0x2, s18;
	v8 =	vld [tilespmem:s8+$0x10];
	v1 =	vadd.f32 v11, v1;
	v4, _, _ =	vpop (xrf2)  }
0xef: {  	v11 =	vld [tilespmem:s17+$0x10];
	[tilespmem:s18+$0x0] =	vst.msk vm0, v4  }
0xf0: {  	v4 =	vld [tilespmem:s8+$0x20];
	v1 =	vadd.f32 v1, v2  }
0xf1: {  	v2 =	vld [tilespmem:s17+$0x20]  }
0xf2: {  	v12 =	vld [tilespmem:s8+$0x30];
	v1 =	vadd.f32 v1, v0  }
0xf3: {  	s7 =	sadd.s32 $0x2, s7;
	v13 =	vld [tilespmem:s17+$0x30]  }
0xf4: {  	p1 =	slt.u32 s7, $0x7E;
	v14 =	vld [tilespmem:s8+$0x50];
	(xrf2) =	vadd.scan.msk.f32 $0xffff, v1  }
0xf5: {  	v1 =	vld [tilespmem:s17+$0x50]  }
0xf6: {  	v15 =	vld [tilespmem:s8+$0x70]  }
0xf7: {  	v6 =	vmul.f32 v7, v6;
	v7 =	vmul.f32 v11, v8;
	v8 =	vld [tilespmem:s17+$0x70]  }
0xf8: {  	v2 =	vmul.f32 v2, v4;
	v11 =	vld [tilespmem:s17+$0xFFFFFF80];
	v4 =	vmul.f32 v13, v12  }
0xf9: {  	v5 =	vmul.f32 v5, v9;
	v12 =	vld [tilespmem:s8+$0xFFFFFF90]  }
0xfa: {  	v2 =	vadd.f32 v2, v6;
	v9 =	vld [tilespmem:s17+$0xFFFFFF90];
	v4 =	vadd.f32 v4, v7;
	v1 =	vmul.f32 v1, v14  }
0xfb: {  	v10 =	vmul.f32 v3, v10;
	v6 =	vld [tilespmem:s8+$0xFFFFFFA0]  }
0xfc: {  	v2 =	vadd.f32 v5, v2;
	v7 =	vld [tilespmem:s17+$0xFFFFFFA0];
	v1 =	vadd.f32 v1, v4;
	v4 =	vmul.f32 v8, v15  }
0xfd: {  	v5 =	vld [tilespmem:s8+$0xFFFFFFB0]  }
0xfe: {  	v2 =	vadd.f32 v10, v2;
	v8 =	vld [tilespmem:s17+$0xFFFFFFB0];
	v1 =	vadd.f32 v4, v1;
	v3, _, _ =	vpop (xrf2)  }
0xff: {  	v4 =	vld [tilespmem:s8+$0xFFFFFF80];
	v9 =	vmul.f32 v9, v12;
	[tilespmem:s18+$0xFFFFFFFF] =	vst.msk vm0, v3  }
0x100: {  	v10 =	vld [tilespmem:s8+$0xFFFFFFC0];
	v2 =	vadd.f32 v1, v2  }
0x101: {  	v7 =	vmul.f32 v7, v6;
	v12 =	vld [tilespmem:s17+$0xFFFFFFC0]  }
0x102: {  	v1 =	vld [tilespmem:s8+$0xFFFFFFD0];
	v6 =	vadd.f32 v2, v0  }
.Ltmp1:
0x103: {  	v5 =	vmul.f32 v8, v5;
	v3 =	vld [tilespmem:s17+$0xFFFFFFD0];
	(pc) =	sbr.rel @p1 .LBB2_5-.Ltmp1, $4  }
0x104: {  	v4 =	vmul.f32 v11, v4;
	v2 =	vld [tilespmem:s8+$0xFFFFFFE0];
	(xrf2) =	vadd.scan.msk.f32 $0xffff, v6  }
0x105: {  	v6 =	vadd.f32 v5, v9;
	v5 =	vld [tilespmem:s17+$0xFFFFFFE0]  }
0x106: {  	v8 =	vadd.f32 v7, v4;
	v9 =	vmul.f32 v12, v10;
	v4 =	vld [tilespmem:s8+$0xFFFFFFF0]  }
0x107: {  	s8 =	sadd.s32 $0x100, s8;
	v7 =	vld [tilespmem:s17+$0xFFFFFFF0]  }
0x108: {  	_ =	sdelay $0x1  }
0x109: {  	v1 =	vmul.f32 v3, v1  }
0x10a: {  	v3 =	vadd.f32 v9, v8  }
0x10b: {  	v1 =	vadd.f32 v1, v6;
	v2 =	vmul.f32 v5, v2;
	v4 =	vmul.f32 v7, v4;
	_ =	sdelay $0x1  }
0x10c: {  	v2 =	vadd.f32 v2, v3;
	v1 =	vadd.f32 v4, v1;
	_ =	sdelay $0x1  }
0x10d: {  	v1 =	vadd.f32 v1, v2;
	_ =	sdelay $0x1  }
0x10e: {  	v1 =	vadd.f32 v1, v0;
	_ =	sdelay $0x1  }
0x10f: {  	(xrf2) =	vadd.scan.msk.f32 $0xffff, v1;
	_ =	sdelay $0x8  }
0x110: {  	s7 =	sadd.s32 $0x2, s18;
	s8 =	sadd.s32 s14, s10;
	v1, _, _ =	vpop (xrf2)  }
0x111: {  	s8 =	sshrl.u32 s8, $0x3;
	[tilespmem:s7+$0x0] =	vst.msk vm0, v1;
	v1, _, _ =	vpop (xrf2)  }
0x112: {  	s8 =	sadd.s32 s3, s8;
	[tilespmem:s7+$0xFFFFFFFF] =	vst.msk vm0, v1  }
0x113: {  	[hbm4b:s8+s4] =	stream.linear.scatter [tilespmem:s30], [sflag:$0x7], $0x80, $0x38;
	[tilespmem:$0x1D280] =	vst v63  }
0x114: {  	_ =	swait.ge [sflag:s13], $0x80  }
0x115: {  	[sflag:s13] =	ssyncset.done $0x0  }
0x116: {  	[sflag:s13] =	ssyncadd.s32 $0xFFFFFF80  }
0x117: {  	_ =	swait.ge [sflag:s31], $0x4000  }
0x118: {  	[sflag:s31] =	ssyncset.done $0x0  }
0x119: {  	[sflag:s31] =	ssyncadd.s32 $0xFFFFC000  }
0x11a: {  	_ =	swait.ge [sflag:s1], $0x4000  }
0x11b: {  	s17 =	simm.s32 @!p0 $0xCF00;
	[sflag:s1] =	ssyncset.done $0x0  }
0x11c: {  	s7 =	sadd.s32 @!p0 $0x200, s14;
	s8 =	simm.s32 @!p0 $0x80;
	[sflag:s1] =	ssyncadd.s32 $0xFFFFC000  }
0x11d: {  	[tilespmem:s17], [sflag:$0x3] =	stream.indirect.gather @!p0 [hbm4b:s6+s8], $0x80, s7, s8, $0xb8;
	[tilespmem:$0x1D280] =	vst v63  }
0x11e: {  	s7 =	sadd.s32 @!p0 $0x2980, s14;
	s14 =	simm.s32 @!p0 $0x10F00  }
0x11f: {  	[tilespmem:s14], [sflag:$0x4] =	stream.indirect.gather @!p0 [hbm4b:s2+s8], $0x80, s7, s8, $0xb8;
	[tilespmem:$0x1D280] =	vst v63  }
0x120: {  	s14 =	simm.s32 $0x14F80  }
0x121: {  	s17 =	simm.s32 $0x18F80;
	v1 =	vld [tilespmem:s14+$0x60]  }
0x122: {  	v2 =	vld [tilespmem:s17+$0x60]  }
0x123: {  	v3 =	vld [tilespmem:s14+$0x40]  }
0x124: {  	v4 =	vld [tilespmem:s17+$0x40]  }
0x125: {  	v5 =	vld [tilespmem:s14+$0x0]  }
0x126: {  	v6 =	vld [tilespmem:s17+$0x0]  }
0x127: {  	v7 =	vld [tilespmem:s14+$0x10]  }
0x128: {  	v8 =	vld [tilespmem:s17+$0x10]  }
0x129: {  	v9 =	vld [tilespmem:s14+$0x20]  }
0x12a: {  	v10 =	vld [tilespmem:s17+$0x20]  }
0x12b: {  	v11 =	vld [tilespmem:s14+$0x30]  }
0x12c: {  	v12 =	vld [tilespmem:s17+$0x30]  }
0x12d: {  	v13 =	vld [tilespmem:s14+$0x50]  }
0x12e: {  	v14 =	vld [tilespmem:s17+$0x50]  }
0x12f: {  	v15 =	vld [tilespmem:s14+$0x70]  }
0x130: {  	v16 =	vld [tilespmem:s17+$0x70]  }
0x131: {  	v17 =	vld [tilespmem:s17+$0xFFFFFF80]  }
0x132: {  	v18 =	vld [tilespmem:s14+$0xFFFFFF90]  }
0x133: {  	v19 =	vld [tilespmem:s17+$0xFFFFFF90]  }
0x134: {  	v20 =	vld [tilespmem:s14+$0xFFFFFFA0]  }
0x135: {  	v21 =	vld [tilespmem:s17+$0xFFFFFFA0]  }
0x136: {  	v22 =	vld [tilespmem:s14+$0xFFFFFFB0]  }
0x137: {  	v23 =	vld [tilespmem:s17+$0xFFFFFFB0]  }
0x138: {  	v24 =	vld [tilespmem:s14+$0xFFFFFF80]  }
0x139: {  	v25 =	vld [tilespmem:s14+$0xFFFFFFC0]  }
0x13a: {  	v26 =	vld [tilespmem:s17+$0xFFFFFFC0]  }
0x13b: {  	v27 =	vld [tilespmem:s14+$0xFFFFFFD0]  }
0x13c: {  	v28 =	vld [tilespmem:s17+$0xFFFFFFD0]  }
0x13d: {  	v29 =	vld [tilespmem:s14+$0xFFFFFFE0]  }
0x13e: {  	v30 =	vld [tilespmem:s17+$0xFFFFFFE0]  }
0x13f: {  	v31 =	vld [tilespmem:s14+$0xFFFFFFF0]  }
0x140: {  	s18 =	simm.s32 $0x15080;
	v32 =	vld [tilespmem:s17+$0xFFFFFFF0]  }
0x141: {  	v33 =	vld [tilespmem:s18+$0x60];
	v5 =	vmul.f32 v6, v5;
	v6 =	vmul.f32 v8, v7  }
0x142: {  	v35 =	vld [tilespmem:s18+$0x40];
	v8 =	vmul.f32 v10, v9;
	v9 =	vmul.f32 v12, v11  }
0x143: {  	v52 =	vld [tilespmem:s18+$0x10];
	v3 =	vmul.f32 v4, v3;
	v4 =	vmul.f32 v14, v13  }
0x144: {  	s14 =	simm.s32 $0x19080;
	v55 =	vld [tilespmem:s18+$0x20];
	v51 =	vmul.f32 v17, v24;
	v5 =	vadd.f32 v8, v5;
	v8 =	vmul.f32 v21, v20  }
0x145: {  	v54 =	vld [tilespmem:s14+$0x10];
	v53 =	vmul.f32 v23, v22;
	v6 =	vadd.f32 v9, v6;
	v9 =	vmul.f32 v19, v18  }
0x146: {  	v56 =	vld [tilespmem:s14+$0x20];
	v1 =	vmul.f32 v2, v1;
	v2 =	vadd.f32 v8, v51;
	v8 =	vmul.f32 v26, v25  }
0x147: {  	v58 =	vld [tilespmem:s14+$0x30];
	v3 =	vadd.f32 v3, v5;
	v5 =	vadd.f32 v53, v9;
	v9 =	vmul.f32 v28, v27  }
0x148: {  	v7 =	vld [tilespmem:s14+$0x40];
	v57 =	vmul.f32 v32, v31;
	v4 =	vadd.f32 v4, v6;
	v6 =	vmul.f32 v16, v15  }
0x149: {  	v10 =	vld [tilespmem:s18+$0x0];
	v2 =	vadd.f32 v8, v2;
	v5 =	vadd.f32 v9, v5;
	v9 =	vmul.f32 v30, v29  }
0x14a: {  	v11 =	vld [tilespmem:s14+$0x0];
	v1 =	vadd.f32 v1, v3;
	v3 =	vadd.f32 v6, v4  }
0x14b: {  	v8 =	vld [tilespmem:s18+$0x30];
	v2 =	vadd.f32 v9, v2;
	v5 =	vadd.f32 v57, v5  }
0x14c: {  	v4 =	vld [tilespmem:s18+$0x50];
	v1 =	vadd.f32 v3, v1  }
0x14d: {  	v6 =	vld [tilespmem:s14+$0x50];
	v2 =	vadd.f32 v5, v2  }
0x14e: {  	v3 =	vld [tilespmem:s18+$0x70];
	v1 =	vadd.f32 v1, v0  }
0x14f: {  	v5 =	vld [tilespmem:s14+$0x70];
	v2 =	vadd.f32 v2, v0  }
0x150: {  	v34 =	vld [tilespmem:s14+$0x60];
	v8 =	vmul.f32 v58, v8;
	(xrf2) =	vadd.scan.msk.f32 $0xffff, v1;
	v1 =	vmul.f32 v11, v10  }
0x151: {  	v59 =	vld [tilespmem:s18+$0xFFFFFF90];
	v10 =	vmul.f32 v54, v52;
	(xrf2) =	vadd.scan.msk.f32 $0xffff, v2;
	v2 =	vmul.f32 v56, v55  }
0x152: {  	v60 =	vld [tilespmem:s18+$0xFFFFFFA0];
	v7 =	vmul.f32 v7, v35  }
0x153: {  	v61 =	vld [tilespmem:s14+$0xFFFFFFA0];
	v4 =	vmul.f32 v6, v4;
	v1 =	vadd.f32 v2, v1;
	v2 =	vadd.f32 v8, v10  }
0x154: {  	v62 =	vld [tilespmem:s14+$0xFFFFFFC0];
	v3 =	vmul.f32 v5, v3  }
0x155: {  	v9 =	vld [tilespmem:s14+$0xFFFFFF80];
	v8 =	vmul.f32 v34, v33;
	v1 =	vadd.f32 v7, v1;
	v2 =	vadd.f32 v4, v2  }
0x156: {  	v6 =	vld [tilespmem:s18+$0xFFFFFFB0]  }
0x157: {  	v11 =	vld [tilespmem:s14+$0xFFFFFF90];
	v5 =	vadd.f32 v8, v1;
	v2 =	vadd.f32 v3, v2  }
0x158: {  	v4 =	vld [tilespmem:s18+$0xFFFFFF80]  }
0x159: {  	v10 =	vld [tilespmem:s14+$0xFFFFFFB0];
	v5 =	vadd.f32 v2, v5  }
0x15a: {  	v7 =	vld [tilespmem:s18+$0xFFFFFFC0]  }
0x15b: {  	v1 =	vld [tilespmem:s18+$0xFFFFFFD0];
	v63 =	vadd.f32 v5, v0  }
0x15c: {  	v3 =	vld [tilespmem:s14+$0xFFFFFFD0]  }
0x15d: {  	s17 =	simm.s32 $0x1D101;
	v12 =	vmul.f32 v61, v60;
	v8, _, _ =	vpop (xrf2);
	v2 =	vld [tilespmem:s18+$0xFFFFFFE0];
	v9 =	vmul.f32 v9, v4;
	(xrf2) =	vadd.scan.msk.f32 $0xffff, v63  }
0x15e: {  	v11 =	vmul.f32 v11, v59;
	v6 =	vmul.f32 v10, v6;
	[tilespmem:s17+$0x0] =	vst.msk vm0, v8;
	v8, _, _ =	vpop (xrf2);
	v5 =	vld [tilespmem:s14+$0xFFFFFFE0]  }
0x15f: {  	v4 =	vld [tilespmem:s18+$0xFFFFFFF0];
	[tilespmem:s17+$0xFFFFFFFF] =	vst.msk vm0, v8;
	v8 =	vadd.f32 v12, v9;
	v9 =	vmul.f32 v62, v7  }
0x160: {  	s7 =	simm.s32 $0x2;
	s8 =	simm.s32 $0x15180;
	v6 =	vadd.f32 v6, v11;
	v7 =	vld [tilespmem:s14+$0xFFFFFFF0]  }
.LBB2_7:
0x161: {  	v10 =	vld [tilespmem:s8+$0x60];
	v8 =	vadd.f32 v9, v8;
	v1 =	vmul.f32 v3, v1;
	s14 =	sadd.s32 $0x100, s14  }
0x162: {  	v3 =	vld [tilespmem:s14+$0x60]  }
0x163: {  	v9 =	vld [tilespmem:s8+$0x40];
	v1 =	vadd.f32 v1, v6;
	v2 =	vmul.f32 v5, v2  }
0x164: {  	v5 =	vld [tilespmem:s14+$0x40]  }
0x165: {  	v6 =	vld [tilespmem:s8+$0x0];
	v2 =	vadd.f32 v2, v8;
	v11 =	vmul.f32 v7, v4  }
0x166: {  	v7 =	vld [tilespmem:s14+$0x0]  }
0x167: {  	s17 =	sadd.s32 $0x2, s17;
	v8 =	vld [tilespmem:s8+$0x10];
	v1 =	vadd.f32 v11, v1;
	v4, _, _ =	vpop (xrf2)  }
0x168: {  	v11 =	vld [tilespmem:s14+$0x10];
	[tilespmem:s17+$0x0] =	vst.msk vm0, v4  }
0x169: {  	v4 =	vld [tilespmem:s8+$0x20];
	v1 =	vadd.f32 v1, v2  }
0x16a: {  	v2 =	vld [tilespmem:s14+$0x20]  }
0x16b: {  	v12 =	vld [tilespmem:s8+$0x30];
	v1 =	vadd.f32 v1, v0  }
0x16c: {  	s7 =	sadd.s32 $0x2, s7;
	v13 =	vld [tilespmem:s14+$0x30]  }
0x16d: {  	p0 =	slt.u32 s7, $0x7E;
	v14 =	vld [tilespmem:s8+$0x50];
	(xrf2) =	vadd.scan.msk.f32 $0xffff, v1  }
0x16e: {  	v1 =	vld [tilespmem:s14+$0x50]  }
0x16f: {  	v15 =	vld [tilespmem:s8+$0x70]  }
0x170: {  	v6 =	vmul.f32 v7, v6;
	v7 =	vmul.f32 v11, v8;
	v8 =	vld [tilespmem:s14+$0x70]  }
0x171: {  	v2 =	vmul.f32 v2, v4;
	v11 =	vld [tilespmem:s14+$0xFFFFFF80];
	v4 =	vmul.f32 v13, v12  }
0x172: {  	v5 =	vmul.f32 v5, v9;
	v12 =	vld [tilespmem:s8+$0xFFFFFF90]  }
0x173: {  	v2 =	vadd.f32 v2, v6;
	v9 =	vld [tilespmem:s14+$0xFFFFFF90];
	v4 =	vadd.f32 v4, v7;
	v1 =	vmul.f32 v1, v14  }
0x174: {  	v10 =	vmul.f32 v3, v10;
	v6 =	vld [tilespmem:s8+$0xFFFFFFA0]  }
0x175: {  	v2 =	vadd.f32 v5, v2;
	v7 =	vld [tilespmem:s14+$0xFFFFFFA0];
	v1 =	vadd.f32 v1, v4;
	v4 =	vmul.f32 v8, v15  }
0x176: {  	v5 =	vld [tilespmem:s8+$0xFFFFFFB0]  }
0x177: {  	v2 =	vadd.f32 v10, v2;
	v8 =	vld [tilespmem:s14+$0xFFFFFFB0];
	v1 =	vadd.f32 v4, v1;
	v3, _, _ =	vpop (xrf2)  }
0x178: {  	v4 =	vld [tilespmem:s8+$0xFFFFFF80];
	v9 =	vmul.f32 v9, v12;
	[tilespmem:s17+$0xFFFFFFFF] =	vst.msk vm0, v3  }
0x179: {  	v10 =	vld [tilespmem:s8+$0xFFFFFFC0];
	v2 =	vadd.f32 v1, v2  }
0x17a: {  	v7 =	vmul.f32 v7, v6;
	v12 =	vld [tilespmem:s14+$0xFFFFFFC0]  }
0x17b: {  	v1 =	vld [tilespmem:s8+$0xFFFFFFD0];
	v6 =	vadd.f32 v2, v0  }
.Ltmp2:
0x17c: {  	v5 =	vmul.f32 v8, v5;
	v3 =	vld [tilespmem:s14+$0xFFFFFFD0];
	(pc) =	sbr.rel @p0 .LBB2_7-.Ltmp2, $4  }
0x17d: {  	v4 =	vmul.f32 v11, v4;
	v2 =	vld [tilespmem:s8+$0xFFFFFFE0];
	(xrf2) =	vadd.scan.msk.f32 $0xffff, v6  }
0x17e: {  	v6 =	vadd.f32 v5, v9;
	v5 =	vld [tilespmem:s14+$0xFFFFFFE0]  }
0x17f: {  	v8 =	vadd.f32 v7, v4;
	v9 =	vmul.f32 v12, v10;
	v4 =	vld [tilespmem:s8+$0xFFFFFFF0]  }
0x180: {  	s8 =	sadd.s32 $0x100, s8;
	v7 =	vld [tilespmem:s14+$0xFFFFFFF0]  }
0x181: {  	_ =	sdelay $0x1  }
0x182: {  	v1 =	vmul.f32 v3, v1  }
0x183: {  	v3 =	vadd.f32 v9, v8  }
0x184: {  	v1 =	vadd.f32 v1, v6;
	v2 =	vmul.f32 v5, v2;
	v4 =	vmul.f32 v7, v4;
	_ =	sdelay $0x1  }
0x185: {  	v2 =	vadd.f32 v2, v3;
	v1 =	vadd.f32 v4, v1;
	_ =	sdelay $0x1  }
0x186: {  	v1 =	vadd.f32 v1, v2;
	_ =	sdelay $0x1  }
0x187: {  	v1 =	vadd.f32 v1, v0;
	_ =	sdelay $0x1  }
0x188: {  	(xrf2) =	vadd.scan.msk.f32 $0xffff, v1;
	_ =	sdelay $0x8  }
0x189: {  	s7 =	sadd.s32 $0x2, s17;
	s8 =	sadd.s32 s5, s20;
	s19 =	sadd.s32 $0x1, s19;
	v1, _, _ =	vpop (xrf2)  }
0x18a: {  	s8 =	sshrl.u32 s8, $0x3;
	p0 =	sne.s32 s19, $0x1A;
	[tilespmem:s7+$0x0] =	vst.msk vm0, v1;
	v1, _, _ =	vpop (xrf2)  }
.Ltmp3:
0x18b: {  	s20 =	sadd.s32 s3, s8;
	[tilespmem:s7+$0xFFFFFFFF] =	vst.msk vm0, v1;
	(pc) =	sbr.rel @p0 .LBB2_2-.Ltmp3, $4  }
0x18c: {  	[hbm4b:s20+s4] =	stream.linear.scatter [tilespmem:s0], [sflag:$0x7], $0x80, $0x38;
	[tilespmem:$0x1D280] =	vst v63  }
0x18d: {  	_ =	swait.ge [sflag:s13], $0x80  }
0x18e: {  	[sflag:s13] =	ssyncset.done $0x0  }
0x18f: {  	[sflag:s13] =	ssyncadd.s32 $0xFFFFFF80  }
0x190: {  	s18 =	simm.s32 $0x4F00;
	s7 =	simm.s32 $0x2700  }
0x191: {  	[tilespmem:s18], [sflag:$0x1] =	stream.indirect.gather [hbm4b:s6+s15], $0x80, s7, s15, $0xb8;
	[tilespmem:$0x1D280] =	vst v63  }
0x192: {  	s19 =	simm.s32 $0x8F00;
	s14 =	simm.s32 $0x4E80  }
0x193: {  	[tilespmem:s19], [sflag:$0x2] =	stream.indirect.gather [hbm4b:s2+s15], $0x80, s14, s15, $0xb8;
	[tilespmem:$0x1D280] =	vst v63  }
0x194: {  	_ =	swait.ge [sflag:s22], $0x800  }
0x195: {  	[sflag:s22] =	ssyncset.done $0x0  }
0x196: {  	[sflag:s22] =	ssyncadd.s32 $0xFFFFF800  }
0x197: {  	_ =	swait.ge [sflag:s23], $0x800  }
0x198: {  	[sflag:s23] =	ssyncset.done $0x0  }
0x199: {  	s17 =	simm.s32 $0x4F80;
	[sflag:s23] =	ssyncadd.s32 $0xFFFFF800  }
0x19a: {  	s8 =	simm.s32 $0x8F80;
	v1 =	vld [tilespmem:s17+$0x60]  }
0x19b: {  	v2 =	vld [tilespmem:s8+$0x60]  }
0x19c: {  	v3 =	vld [tilespmem:s17+$0x40]  }
0x19d: {  	v4 =	vld [tilespmem:s8+$0x40]  }
0x19e: {  	v5 =	vld [tilespmem:s17+$0x0]  }
0x19f: {  	v6 =	vld [tilespmem:s8+$0x0]  }
0x1a0: {  	v7 =	vld [tilespmem:s17+$0x10]  }
0x1a1: {  	v8 =	vld [tilespmem:s8+$0x10]  }
0x1a2: {  	v9 =	vld [tilespmem:s17+$0x20]  }
0x1a3: {  	v10 =	vld [tilespmem:s8+$0x20]  }
0x1a4: {  	v11 =	vld [tilespmem:s17+$0x30]  }
0x1a5: {  	v12 =	vld [tilespmem:s8+$0x30]  }
0x1a6: {  	v13 =	vld [tilespmem:s17+$0x50]  }
0x1a7: {  	v14 =	vld [tilespmem:s8+$0x50]  }
0x1a8: {  	v15 =	vld [tilespmem:s17+$0x70]  }
0x1a9: {  	v16 =	vld [tilespmem:s8+$0x70]  }
0x1aa: {  	v17 =	vld [tilespmem:s8+$0xFFFFFF80]  }
0x1ab: {  	v18 =	vld [tilespmem:s17+$0xFFFFFF90]  }
0x1ac: {  	v19 =	vld [tilespmem:s8+$0xFFFFFF90]  }
0x1ad: {  	v20 =	vld [tilespmem:s17+$0xFFFFFFA0]  }
0x1ae: {  	v21 =	vld [tilespmem:s8+$0xFFFFFFA0]  }
0x1af: {  	v22 =	vld [tilespmem:s17+$0xFFFFFFB0]  }
0x1b0: {  	v23 =	vld [tilespmem:s8+$0xFFFFFFB0]  }
0x1b1: {  	v24 =	vld [tilespmem:s17+$0xFFFFFF80]  }
0x1b2: {  	v25 =	vld [tilespmem:s17+$0xFFFFFFC0]  }
0x1b3: {  	v26 =	vld [tilespmem:s8+$0xFFFFFFC0]  }
0x1b4: {  	v27 =	vld [tilespmem:s17+$0xFFFFFFD0]  }
0x1b5: {  	v28 =	vld [tilespmem:s8+$0xFFFFFFD0]  }
0x1b6: {  	v29 =	vld [tilespmem:s17+$0xFFFFFFE0]  }
0x1b7: {  	v30 =	vld [tilespmem:s8+$0xFFFFFFE0]  }
0x1b8: {  	v31 =	vld [tilespmem:s17+$0xFFFFFFF0]  }
0x1b9: {  	s20 =	simm.s32 $0x5080;
	v32 =	vld [tilespmem:s8+$0xFFFFFFF0]  }
0x1ba: {  	v33 =	vld [tilespmem:s20+$0x60];
	v5 =	vmul.f32 v6, v5;
	v6 =	vmul.f32 v8, v7  }
0x1bb: {  	v35 =	vld [tilespmem:s20+$0x40];
	v8 =	vmul.f32 v10, v9;
	v9 =	vmul.f32 v12, v11  }
0x1bc: {  	s14 =	simm.s32 $0x9080;
	v52 =	vld [tilespmem:s20+$0x10];
	v3 =	vmul.f32 v4, v3;
	v4 =	vmul.f32 v14, v13  }
0x1bd: {  	v54 =	vld [tilespmem:s14+$0x10];
	v51 =	vmul.f32 v17, v24;
	v5 =	vadd.f32 v8, v5;
	v8 =	vmul.f32 v21, v20  }
0x1be: {  	v55 =	vld [tilespmem:s20+$0x20];
	v53 =	vmul.f32 v23, v22;
	v6 =	vadd.f32 v9, v6;
	v9 =	vmul.f32 v19, v18  }
0x1bf: {  	v56 =	vld [tilespmem:s14+$0x20];
	v1 =	vmul.f32 v2, v1;
	v2 =	vadd.f32 v8, v51;
	v8 =	vmul.f32 v26, v25  }
0x1c0: {  	v58 =	vld [tilespmem:s14+$0x30];
	v3 =	vadd.f32 v3, v5;
	v5 =	vadd.f32 v53, v9;
	v9 =	vmul.f32 v28, v27  }
0x1c1: {  	v7 =	vld [tilespmem:s14+$0x40];
	v57 =	vmul.f32 v32, v31;
	v4 =	vadd.f32 v4, v6;
	v6 =	vmul.f32 v16, v15  }
0x1c2: {  	v10 =	vld [tilespmem:s20+$0x0];
	v2 =	vadd.f32 v8, v2;
	v5 =	vadd.f32 v9, v5;
	v9 =	vmul.f32 v30, v29  }
0x1c3: {  	v11 =	vld [tilespmem:s14+$0x0];
	v1 =	vadd.f32 v1, v3;
	v3 =	vadd.f32 v6, v4  }
0x1c4: {  	v8 =	vld [tilespmem:s20+$0x30];
	v2 =	vadd.f32 v9, v2;
	v5 =	vadd.f32 v57, v5  }
0x1c5: {  	v4 =	vld [tilespmem:s20+$0x50];
	v1 =	vadd.f32 v3, v1  }
0x1c6: {  	v6 =	vld [tilespmem:s14+$0x50];
	v2 =	vadd.f32 v5, v2  }
0x1c7: {  	v3 =	vld [tilespmem:s20+$0x70];
	v1 =	vadd.f32 v1, v0  }
0x1c8: {  	v5 =	vld [tilespmem:s14+$0x70];
	v2 =	vadd.f32 v2, v0  }
0x1c9: {  	v34 =	vld [tilespmem:s14+$0x60];
	v8 =	vmul.f32 v58, v8;
	(xrf2) =	vadd.scan.msk.f32 $0xffff, v1;
	v1 =	vmul.f32 v11, v10  }
0x1ca: {  	v59 =	vld [tilespmem:s20+$0xFFFFFF90];
	v10 =	vmul.f32 v54, v52;
	(xrf2) =	vadd.scan.msk.f32 $0xffff, v2;
	v2 =	vmul.f32 v56, v55  }
0x1cb: {  	v60 =	vld [tilespmem:s20+$0xFFFFFFA0];
	v7 =	vmul.f32 v7, v35  }
0x1cc: {  	v61 =	vld [tilespmem:s14+$0xFFFFFFA0];
	v4 =	vmul.f32 v6, v4;
	v1 =	vadd.f32 v2, v1;
	v2 =	vadd.f32 v8, v10  }
0x1cd: {  	v62 =	vld [tilespmem:s14+$0xFFFFFFC0];
	v3 =	vmul.f32 v5, v3  }
0x1ce: {  	v9 =	vld [tilespmem:s14+$0xFFFFFF80];
	v8 =	vmul.f32 v34, v33;
	v1 =	vadd.f32 v7, v1;
	v2 =	vadd.f32 v4, v2  }
0x1cf: {  	v6 =	vld [tilespmem:s20+$0xFFFFFFB0]  }
0x1d0: {  	v11 =	vld [tilespmem:s14+$0xFFFFFF90];
	v5 =	vadd.f32 v8, v1;
	v2 =	vadd.f32 v3, v2  }
0x1d1: {  	v4 =	vld [tilespmem:s20+$0xFFFFFF80]  }
0x1d2: {  	v10 =	vld [tilespmem:s14+$0xFFFFFFB0];
	v5 =	vadd.f32 v2, v5  }
0x1d3: {  	v7 =	vld [tilespmem:s20+$0xFFFFFFC0]  }
0x1d4: {  	v1 =	vld [tilespmem:s20+$0xFFFFFFD0];
	v63 =	vadd.f32 v5, v0  }
0x1d5: {  	v3 =	vld [tilespmem:s14+$0xFFFFFFD0]  }
0x1d6: {  	s17 =	simm.s32 $0x1CF01;
	v12 =	vmul.f32 v61, v60;
	v8, _, _ =	vpop (xrf2);
	v2 =	vld [tilespmem:s20+$0xFFFFFFE0];
	v9 =	vmul.f32 v9, v4;
	(xrf2) =	vadd.scan.msk.f32 $0xffff, v63  }
0x1d7: {  	v11 =	vmul.f32 v11, v59;
	v6 =	vmul.f32 v10, v6;
	[tilespmem:s17+$0x0] =	vst.msk vm0, v8;
	v8, _, _ =	vpop (xrf2);
	v5 =	vld [tilespmem:s14+$0xFFFFFFE0]  }
0x1d8: {  	v4 =	vld [tilespmem:s20+$0xFFFFFFF0];
	[tilespmem:s17+$0xFFFFFFFF] =	vst.msk vm0, v8;
	v8 =	vadd.f32 v12, v9;
	v9 =	vmul.f32 v62, v7  }
0x1d9: {  	s7 =	simm.s32 $0x2;
	s8 =	simm.s32 $0x5180;
	v6 =	vadd.f32 v6, v11;
	v7 =	vld [tilespmem:s14+$0xFFFFFFF0]  }
.LBB2_10:
0x1da: {  	v10 =	vld [tilespmem:s8+$0x60];
	v8 =	vadd.f32 v9, v8;
	v1 =	vmul.f32 v3, v1;
	s14 =	sadd.s32 $0x100, s14  }
0x1db: {  	v3 =	vld [tilespmem:s14+$0x60]  }
0x1dc: {  	v9 =	vld [tilespmem:s8+$0x40];
	v1 =	vadd.f32 v1, v6;
	v2 =	vmul.f32 v5, v2  }
0x1dd: {  	v5 =	vld [tilespmem:s14+$0x40]  }
0x1de: {  	v6 =	vld [tilespmem:s8+$0x0];
	v2 =	vadd.f32 v2, v8;
	v11 =	vmul.f32 v7, v4  }
0x1df: {  	v7 =	vld [tilespmem:s14+$0x0]  }
0x1e0: {  	s17 =	sadd.s32 $0x2, s17;
	v8 =	vld [tilespmem:s8+$0x10];
	v1 =	vadd.f32 v11, v1;
	v4, _, _ =	vpop (xrf2)  }
0x1e1: {  	v11 =	vld [tilespmem:s14+$0x10];
	[tilespmem:s17+$0x0] =	vst.msk vm0, v4  }
0x1e2: {  	v4 =	vld [tilespmem:s8+$0x20];
	v1 =	vadd.f32 v1, v2  }
0x1e3: {  	v2 =	vld [tilespmem:s14+$0x20]  }
0x1e4: {  	v12 =	vld [tilespmem:s8+$0x30];
	v1 =	vadd.f32 v1, v0  }
0x1e5: {  	s7 =	sadd.s32 $0x2, s7;
	v13 =	vld [tilespmem:s14+$0x30]  }
0x1e6: {  	p0 =	slt.u32 s7, $0xE;
	v14 =	vld [tilespmem:s8+$0x50];
	(xrf2) =	vadd.scan.msk.f32 $0xffff, v1  }
0x1e7: {  	v1 =	vld [tilespmem:s14+$0x50]  }
0x1e8: {  	v15 =	vld [tilespmem:s8+$0x70]  }
0x1e9: {  	v6 =	vmul.f32 v7, v6;
	v7 =	vmul.f32 v11, v8;
	v8 =	vld [tilespmem:s14+$0x70]  }
0x1ea: {  	v2 =	vmul.f32 v2, v4;
	v11 =	vld [tilespmem:s14+$0xFFFFFF80];
	v4 =	vmul.f32 v13, v12  }
0x1eb: {  	v5 =	vmul.f32 v5, v9;
	v12 =	vld [tilespmem:s8+$0xFFFFFF90]  }
0x1ec: {  	v2 =	vadd.f32 v2, v6;
	v9 =	vld [tilespmem:s14+$0xFFFFFF90];
	v4 =	vadd.f32 v4, v7;
	v1 =	vmul.f32 v1, v14  }
0x1ed: {  	v10 =	vmul.f32 v3, v10;
	v6 =	vld [tilespmem:s8+$0xFFFFFFA0]  }
0x1ee: {  	v2 =	vadd.f32 v5, v2;
	v7 =	vld [tilespmem:s14+$0xFFFFFFA0];
	v1 =	vadd.f32 v1, v4;
	v4 =	vmul.f32 v8, v15  }
0x1ef: {  	v5 =	vld [tilespmem:s8+$0xFFFFFFB0]  }
0x1f0: {  	v2 =	vadd.f32 v10, v2;
	v8 =	vld [tilespmem:s14+$0xFFFFFFB0];
	v1 =	vadd.f32 v4, v1;
	v3, _, _ =	vpop (xrf2)  }
0x1f1: {  	v4 =	vld [tilespmem:s8+$0xFFFFFF80];
	v9 =	vmul.f32 v9, v12;
	[tilespmem:s17+$0xFFFFFFFF] =	vst.msk vm0, v3  }
0x1f2: {  	v10 =	vld [tilespmem:s8+$0xFFFFFFC0];
	v2 =	vadd.f32 v1, v2  }
0x1f3: {  	v7 =	vmul.f32 v7, v6;
	v12 =	vld [tilespmem:s14+$0xFFFFFFC0]  }
0x1f4: {  	v1 =	vld [tilespmem:s8+$0xFFFFFFD0];
	v6 =	vadd.f32 v2, v0  }
.Ltmp4:
0x1f5: {  	v5 =	vmul.f32 v8, v5;
	v3 =	vld [tilespmem:s14+$0xFFFFFFD0];
	(pc) =	sbr.rel @p0 .LBB2_10-.Ltmp4, $4  }
0x1f6: {  	v4 =	vmul.f32 v11, v4;
	v2 =	vld [tilespmem:s8+$0xFFFFFFE0];
	(xrf2) =	vadd.scan.msk.f32 $0xffff, v6  }
0x1f7: {  	v6 =	vadd.f32 v5, v9;
	v5 =	vld [tilespmem:s14+$0xFFFFFFE0]  }
0x1f8: {  	v8 =	vadd.f32 v7, v4;
	v9 =	vmul.f32 v12, v10;
	v4 =	vld [tilespmem:s8+$0xFFFFFFF0]  }
0x1f9: {  	s8 =	sadd.s32 $0x100, s8;
	v7 =	vld [tilespmem:s14+$0xFFFFFFF0]  }
0x1fa: {  	_ =	sdelay $0x1  }
0x1fb: {  	v1 =	vmul.f32 v3, v1  }
0x1fc: {  	v61 =	vadd.f32 v9, v8  }
0x1fd: {  	v1 =	vadd.f32 v1, v6;
	v2 =	vmul.f32 v5, v2;
	v4 =	vmul.f32 v7, v4;
	_ =	sdelay $0x1  }
0x1fe: {  	v2 =	vadd.f32 v2, v61;
	v1 =	vadd.f32 v4, v1;
	_ =	sdelay $0x1  }
0x1ff: {  	v1 =	vadd.f32 v1, v2;
	_ =	sdelay $0x1  }
0x200: {  	v0 =	vadd.f32 v1, v0;
	_ =	sdelay $0x1  }
0x201: {  	(xrf2) =	vadd.scan.msk.f32 $0xffff, v0;
	_ =	sdelay $0x8  }
0x202: {  	s7 =	sadd.s32 $0x2, s17;
	s21 =	sadd.s32 $0x1, s21;
	v62, _, _ =	vpop (xrf2)  }
0x203: {  	p0 =	sne.s32 s21, s12;
	[tilespmem:s7+$0x0] =	vst.msk vm0, v62;
	v63, _, _ =	vpop (xrf2)  }
.Ltmp5:
0x204: {  	[tilespmem:s7+$0xFFFFFFFF] =	vst.msk vm0, v63;
	(pc) =	sbr.rel @p0 .LBB2_1-.Ltmp5, $4  }
0x205: {  	[hbm4b:s11+s4] =	stream.linear.scatter [tilespmem:s26], [sflag:$0x7], $0x10, $0x38;
	[tilespmem:$0x1D280] =	vst v63  }
0x206: {  	_ =	swait.ge [sflag:s13], $0x10  }
0x207: {  	[sflag:s13] =	ssyncset.done $0x0  }
0x208: {  	[sflag:s13] =	ssyncadd.s32 $0xFFFFFFF0  }
0x209: {  	_ =	sfence.sel $0x180000  }
0x20a: {  	[bflag:$0x0] =	sbarrier.arrive $0xFFFF  }
0x20b: {  	_ =	strace $0x90000047  }
0x20c: {  	s0 =	stileid.u32;
	[bflag:$0x2] =	sbarrier.arrive $0xFFFF  }
0x20d: {  	p0 =	sne.s32 s0, $0x0;
	s0 =	rddreg [dreg:$0x3]  }
0x20e: {  	s0 =	sadd.s32 @!p0 $0x100000, s0  }
0x20f: {  	[sflag:s0] =	ssyncadd.tile.s32 @!p0 $0x1;
	_ =	shalt  }
.Lfunc_end2:
_tile_overlayer_lowered:
.L_overlay_start_2:
0x210: {  	(tag) =	ssettag $0x2  }
0x211: {  	s0 =	rddreg [dreg:$0x0];
	s2 =	stileid.u32  }
0x212: {  	s1 =	rddreg [dreg:$0x1];
	p0 =	sne.s32 s2, $0x0  }
0x213: {  	s3 =	rddreg [dreg:$0x2];
	[bflag:$0x3] =	sbarrier.arrive $0xFFFF;
	s2 =	simm.s32 @!p0 $0x1C07  }
0x214: {  	[timem:s3], [sflag:s2] =	dma.local @!p0 [hbm:s0], s1  }
0x215: {  	s0 =	simm.s32 @!p0 $0x7  }
0x216: {  	_ =	swait.ge @!p0 [sflag:s0], s1  }
0x217: {  	s1 =	ssub.s32 @!p0 $0x0, s1;
	[sflag:s0] =	ssyncset.done @!p0 $0x0  }
0x218: {  	[sflag:s0] =	ssyncadd.s32 @!p0 s1  }
0x219: {  	[bflag:$0x3] =	sbarrier.arrive $0xFFFF  }
0x21a: {  	_ =	shalt  }

</sc_bundles>
